<compile_context>
chip_gen: v7x
topology: tpu7x:2x2x1
jax: 0.10.2.dev20260603
libtpu: 0.0.44.dev20260713+nightly
codegen_flags: <defaults>
</compile_context>

<pallas_src>
import functools

import jax
import jax.numpy as jnp
from jax import lax
from jax.experimental import pallas as pl
from jax.experimental.pallas import tpu as pltpu
from jax.experimental.pallas import tpu_sc as plsc

_H = 16
_A = 64
_AP = 128


def _embed_gather(x_flat, table):
    T = x_flat.shape[0]
    V, D = table.shape
    NC, NS = 2, 16
    NW = NC * NS
    CH = 64
    b_per_w = T // NW
    n_ch = b_per_w // CH

    mesh = plsc.VectorSubcoreMesh(core_axis_name="c", subcore_axis_name="s")

    @functools.partial(
        pl.kernel,
        out_type=jax.ShapeDtypeStruct((T, D), jnp.float32),
        mesh=mesh,
        scratch_types=[
            pltpu.VMEM((CH,), jnp.int32),
            pltpu.VMEM((CH, D), jnp.float32),
            pltpu.SemaphoreType.DMA,
        ],
    )
    def gather_k(idx_hbm, table_hbm, out_hbm, idx_v, rows_v, sem):
        wid = lax.axis_index("s") * NC + lax.axis_index("c")
        base = wid * b_per_w
        for c in range(n_ch):
            off = base + c * CH
            pltpu.sync_copy(idx_hbm.at[pl.ds(off, CH)], idx_v)
            pltpu.async_copy(table_hbm.at[idx_v], rows_v, sem).wait()
            pltpu.sync_copy(rows_v, out_hbm.at[pl.ds(off, CH)])

    return gather_k(x_flat, table)


def _ln_qkv(emb, m1, v1, wqkv, g, b):
    T, D = emb.shape
    C3 = wqkv.shape[1]
    RB = 256
    CB = 1024

    def body(emb_ref, m_ref, v_ref, w_ref, g_ref, b_ref, out_ref):
        e = emb_ref[...]
        y = ((e - m_ref[...][:, :1]) / jnp.sqrt(v_ref[...][:, :1] + 1e-5)
             * g_ref[...] + b_ref[...])
        out_ref[...] = jnp.dot(y.astype(jnp.bfloat16), w_ref[...],
                               preferred_element_type=jnp.float32
                               ).astype(jnp.bfloat16)

    return pl.pallas_call(
        body,
        grid=(T // RB, C3 // CB),
        in_specs=[
            pl.BlockSpec((RB, D), lambda i, c: (i, 0)),
            pl.BlockSpec((RB, 128), lambda i, c: (i, 0)),
            pl.BlockSpec((RB, 128), lambda i, c: (i, 0)),
            pl.BlockSpec((D, CB), lambda i, c: (0, c)),
            pl.BlockSpec((1, D), lambda i, c: (0, 0)),
            pl.BlockSpec((1, D), lambda i, c: (0, 0)),
        ],
        out_specs=pl.BlockSpec((RB, CB), lambda i, c: (i, c)),
        out_shape=jax.ShapeDtypeStruct((T, C3), jnp.bfloat16),
    )(emb, m1, v1, wqkv, g, b)


def _attention(qkv, B, S):
    T = B * S
    BQ = 512
    nq = S // BQ

    def body(q_ref, k_ref, v_ref, o_ref):
        s = lax.dot_general(q_ref[...], k_ref[...], (((1,), (1,)), ((), ())),
                            preferred_element_type=jnp.float32)
        s = s * 0.125
        mx = jnp.max(s, axis=-1, keepdims=True)
        p = jnp.exp(s - mx)
        p = p / jnp.sum(p, axis=-1, keepdims=True)
        o_ref[...] = jnp.dot(p.astype(jnp.bfloat16), v_ref[...],
                             preferred_element_type=jnp.float32
                             ).astype(jnp.bfloat16)

    return pl.pallas_call(
        body,
        grid=(B, _H, nq),
        in_specs=[
            pl.BlockSpec((BQ, _AP), lambda b, h, i: (b * nq + i, h)),
            pl.BlockSpec((S, _AP), lambda b, h, i: (b, _H + h)),
            pl.BlockSpec((S, _AP), lambda b, h, i: (b, 2 * _H + h)),
        ],
        out_specs=pl.BlockSpec((BQ, _AP), lambda b, h, i: (b * nq + i, h)),
        out_shape=jax.ShapeDtypeStruct((T, _H * _AP), jnp.bfloat16),
    )(qkv, qkv, qkv)


def _proj_ln2_route(o, emb, wp, bp, g, b, wr_pad, br_pad, E):
    T, D = emb.shape
    HP = o.shape[1]
    RB = 256

    def body(o_ref, emb_ref, wp_ref, bp_ref, g_ref, b_ref, wr_ref, br_ref,
             y2bf_ref, cw_ref):
        y2 = (jnp.dot(o_ref[...], wp_ref[...], preferred_element_type=jnp.float32)
              + bp_ref[...] + emb_ref[...])
        m = jnp.mean(y2, axis=-1, keepdims=True)
        cen = y2 - m
        var = jnp.mean(cen * cen, axis=-1, keepdims=True)
        y2 = cen / jnp.sqrt(var + 1e-5) * g_ref[...] + b_ref[...]
        y2bf_ref[...] = y2.astype(jnp.bfloat16)
        l = jnp.dot(y2bf_ref[...], wr_ref[...],
                    preferred_element_type=jnp.float32) + br_ref[...]
        col = lax.broadcasted_iota(jnp.int32, l.shape, 1)
        l = jnp.where(col < E, l, -jnp.inf)
        mx = jnp.max(l, axis=-1, keepdims=True)
        pz = jnp.exp(l - mx)
        p = pz / jnp.sum(pz, axis=-1, keepdims=True)
        p1 = jnp.max(p, axis=-1, keepdims=True)
        i1 = jnp.min(jnp.where(p == p1, col, 128), axis=-1, keepdims=True)
        pm = jnp.where(col == i1, -1.0, p)
        p2 = jnp.max(pm, axis=-1, keepdims=True)
        i2 = jnp.min(jnp.where(pm == p2, col, 128), axis=-1, keepdims=True)
        keep = (col == i1) | (col == i2)
        cw_ref[...] = jnp.where(keep, p, 0.0)

    return pl.pallas_call(
        body,
        grid=(T // RB,),
        in_specs=[
            pl.BlockSpec((RB, HP), lambda i: (i, 0)),
            pl.BlockSpec((RB, D), lambda i: (i, 0)),
            pl.BlockSpec((HP, D), lambda i: (0, 0)),
            pl.BlockSpec((1, D), lambda i: (0, 0)),
            pl.BlockSpec((1, D), lambda i: (0, 0)),
            pl.BlockSpec((1, D), lambda i: (0, 0)),
            pl.BlockSpec((D, 128), lambda i: (0, 0)),
            pl.BlockSpec((1, 128), lambda i: (0, 0)),
        ],
        out_specs=[
            pl.BlockSpec((RB, D), lambda i: (i, 0)),
            pl.BlockSpec((RB, 128), lambda i: (i, 0)),
        ],
        out_shape=[
            jax.ShapeDtypeStruct((T, D), jnp.bfloat16),
            jax.ShapeDtypeStruct((T, 128), jnp.float32),
        ],
    )(o, emb, wp, bp, g, b, wr_pad, br_pad)


def _moe(y2bf, cw, we_bf, be_pad):
    T, D = y2bf.shape
    E, _, OUT = we_bf.shape
    RB = 256

    def body(y_ref, cw_ref, we_ref, be_ref, out_ref):
        e = pl.program_id(1)
        cw = cw_ref[...]

        @pl.when(e == 0)
        def _():
            out_ref[...] = jnp.dot(cw, be_ref[...],
                                   preferred_element_type=jnp.float32)

        part = jnp.dot(y_ref[...], we_ref[0],
                       preferred_element_type=jnp.float32)
        col = lax.broadcasted_iota(jnp.int32, cw.shape, 1)
        w = jnp.sum(jnp.where(col == e, cw, 0.0), axis=-1, keepdims=True)
        out_ref[...] += w * part

    return pl.pallas_call(
        body,
        grid=(T // RB, E),
        in_specs=[
            pl.BlockSpec((RB, D), lambda i, e: (i, 0)),
            pl.BlockSpec((RB, 128), lambda i, e: (i, 0)),
            pl.BlockSpec((1, D, OUT), lambda i, e: (e, 0, 0)),
            pl.BlockSpec((128, OUT), lambda i, e: (0, 0)),
        ],
        out_specs=pl.BlockSpec((RB, OUT), lambda i, e: (i, 0)),
        out_shape=jax.ShapeDtypeStruct((T, OUT), jnp.float32),
    )(y2bf, cw, we_bf, be_pad)


def kernel(x, table, ln1_g, ln1_b, Wq, Wk, Wv, Wp, bp, ln2_g, ln2_b, Wr, br, We, be):
    B, S = x.shape
    V, D = table.shape
    T = B * S
    E = Wr.shape[1]
    OUT = We.shape[2]

    x_flat = x.reshape(T).astype(jnp.int32)
    emb = _embed_gather(x_flat, table)

    def _pad_heads(w):
        return jnp.pad(w.reshape(D, _H, _A), ((0, 0), (0, 0), (0, _AP - _A))
                       ).reshape(D, _H * _AP)

    wqkv = jnp.concatenate([_pad_heads(Wq), _pad_heads(Wk), _pad_heads(Wv)],
                           axis=1).astype(jnp.bfloat16)
    m1 = jnp.mean(emb, axis=-1, keepdims=True)
    v1 = jnp.mean((emb - m1) ** 2, axis=-1, keepdims=True)
    m1b = jnp.broadcast_to(m1, (T, 128))
    v1b = jnp.broadcast_to(v1, (T, 128))
    qkv = _ln_qkv(emb, m1b, v1b, wqkv, ln1_g.reshape(1, D), ln1_b.reshape(1, D))
    o = _attention(qkv, B, S)

    wp_pad = jnp.pad(Wp.reshape(_H, _A, D), ((0, 0), (0, _AP - _A), (0, 0))
                     ).reshape(_H * _AP, D).astype(jnp.bfloat16)
    wr_pad = jnp.pad(Wr, ((0, 0), (0, 128 - E))).astype(jnp.bfloat16)
    br_pad = jnp.pad(br, (0, 128 - E)).reshape(1, 128)
    y2bf, cw = _proj_ln2_route(o, emb, wp_pad, bp.reshape(1, D),
                               ln2_g.reshape(1, D), ln2_b.reshape(1, D),
                               wr_pad, br_pad, E)

    we_bf = We.astype(jnp.bfloat16)
    be_pad = jnp.pad(be, ((0, 128 - E), (0, 0)))
    out = _moe(y2bf, cw, we_bf, be_pad)
    return out.reshape(B, S, OUT)

# --- scband reference (transcript-rebuilt; emitter-appended) ---
"""Pipeline reference for scband-transformer-with-mo-e-43748536877322 (READ-ONLY COPY).

The authoritative reference and input builder live on the scoring server;
editing this copy changes nothing except your own understanding.
"""

import jax, jax.numpy as jnp
import numpy as np

B, S, V, D, A, H, OUT, E, K = 2, 2048, 32000, 1024, 64, 16, 1024, 8, 2


def setup_inputs(seed: int = 0) -> dict:
    key = jax.random.key(seed)
    ks = jax.random.split(key, 16)
    x = jax.random.randint(ks[0], (B, S), 0, V, dtype=jnp.int64 if jax.config.jax_enable_x64 else jnp.int32).astype(jnp.int32)
    table = jax.random.normal(ks[1], (V, D), dtype=jnp.float32) * 0.02
    Wq = jax.random.normal(ks[2], (D, H * A), dtype=jnp.float32) * 0.02
    Wk = jax.random.normal(ks[3], (D, H * A), dtype=jnp.float32) * 0.02
    Wv = jax.random.normal(ks[4], (D, H * A), dtype=jnp.float32) * 0.02
    Wp = jax.random.normal(ks[5], (H * A, D), dtype=jnp.float32) * 0.02
    bp = jnp.zeros((D,), dtype=jnp.float32)
    ln1_g = jnp.ones((D,), dtype=jnp.float32)
    ln1_b = jnp.zeros((D,), dtype=jnp.float32)
    ln2_g = jnp.ones((D,), dtype=jnp.float32)
    ln2_b = jnp.zeros((D,), dtype=jnp.float32)
    Wr = jax.random.normal(ks[6], (D, E), dtype=jnp.float32) * 0.02
    br = jnp.zeros((E,), dtype=jnp.float32)
    We = jax.random.normal(ks[7], (E, D, OUT), dtype=jnp.float32) * 0.02
    be = jnp.zeros((E, OUT), dtype=jnp.float32)
    return {"x": x, "table": table, "ln1_g": ln1_g, "ln1_b": ln1_b, "Wq": Wq, "Wk": Wk, "Wv": Wv, "Wp": Wp, "bp": bp, "ln2_g": ln2_g, "ln2_b": ln2_b, "Wr": Wr, "br": br, "We": We, "be": be}


def _layernorm(x, g, b, eps=1e-5):
    m = jnp.mean(x, axis=-1, keepdims=True)
    v = jnp.mean((x - m) ** 2, axis=-1, keepdims=True)
    return (x - m) / jnp.sqrt(v + eps) * g + b


def reference(x, table, ln1_g, ln1_b, Wq, Wk, Wv, Wp, bp, ln2_g, ln2_b, Wr, br, We, be):
    emb = jnp.take(table, x, axis=0)                      # [B,S,D] embedding lookup
    y = _layernorm(emb, ln1_g, ln1_b)
    b, s = y.shape[0], y.shape[1]
    q = (y @ Wq).reshape(b, s, H, A).transpose(0, 2, 1, 3)
    k = (y @ Wk).reshape(b, s, H, A).transpose(0, 2, 1, 3)
    v = (y @ Wv).reshape(b, s, H, A).transpose(0, 2, 1, 3)
    scores = jnp.einsum('bhqa,bhka->bhqk', q, k) / jnp.sqrt(jnp.float32(A))
    att = jax.nn.softmax(scores, axis=-1)
    o = jnp.einsum('bhqk,bhka->bhqa', att, v).transpose(0, 2, 1, 3).reshape(b, s, H * A)
    y2 = o @ Wp + bp
    y2 = y2 + emb
    y2 = _layernorm(y2, ln2_g, ln2_b)
    routes = jax.nn.softmax(y2 @ Wr + br, axis=-1)        # [B,S,E]
    weights, idx = jax.lax.top_k(routes, K)               # [B,S,K]
    out = jnp.zeros((b, s, OUT), dtype=y2.dtype)
    for i in range(K):
        expert_idx = idx[..., i]                          # [B,S]
        expert_weight = weights[..., i][..., None]        # [B,S,1]
        expert_out = jnp.zeros_like(out)
        for e in range(E):
            m = (expert_idx == e)[..., None].astype(y2.dtype)
            expert_out = expert_out + (y2 @ We[e] + be[e]) * m
        out = out + expert_weight * expert_out
    return out

if __name__ == "__main__":
    import jax
    _d = setup_inputs()
    print(jax.jit(kernel)(*tuple(_d.values())))

</pallas_src>

<mosaic_0001>
#map = affine_map<(d0, d1) -> (0)>
#map1 = affine_map<(d0, d1) -> (0, 0)>
module attributes {stable_mosaic.version = 14 : i64} {
  func.func @gather_k(%arg0: i32, %arg1: i32, %arg2: memref<4096xi32, #tpu.memory_space<hbm>>, %arg3: memref<32000x1024xf32, #tpu.memory_space<hbm>>, %arg4: memref<4096x1024xf32, #tpu.memory_space<hbm>>, %arg5: memref<64xi32, #tpu.memory_space<vmem>>, %arg6: memref<64x1024xf32, #tpu.memory_space<vmem>>, %arg7: memref<!tpu.dma_semaphore, #tpu.memory_space<semaphore_mem>>) attributes {dimension_semantics = [#tpu.dimension_semantics<core_parallel>, #tpu.dimension_semantics<subcore_parallel>], iteration_bounds = array<i64: 2, 16>, scalar_prefetch = 0 : i64, scratch_operands = 3 : i64, tpu.core_type = #tpu.core_type<sc_vector_subcore>, window_params = [{transform_indices = #map}, {transform_indices = #map1}, {transform_indices = #map1}]} {
    %mul3A = arith.constant 2 : i32
    %mul3A_0 = arith.muli %arg1, %mul3A : i32
    %add3A = arith.addi %mul3A_0, %arg0 : i32
    %mul3A_1 = arith.constant 128 : i32
    %mul3A_2 = arith.muli %add3A, %mul3A_1 : i32
    %add3A_3 = arith.constant 0 : i32
    %add3A_4 = arith.addi %mul3A_2, %add3A_3 : i32
    "tpu.region"() ({
      %run_scoped3A = tpu.sem_alloc : memref<!tpu.dma_semaphore, #tpu.memory_space<semaphore_mem>>
      %dma_start3A_17 = tpu.memref_slice %arg2[%add3A_4] : memref<4096xi32, #tpu.memory_space<hbm>> -> memref<64xi32, #tpu.memory_space<hbm>>
      %dma_start3A_18 = tpu.memref_slice %arg2[%add3A_4] : memref<4096xi32, #tpu.memory_space<hbm>> -> memref<64xi32, #tpu.memory_space<hbm>>
      tpu.enqueue_dma source(%dma_start3A_18 : memref<64xi32, #tpu.memory_space<hbm>>) target(%arg5 : memref<64xi32, #tpu.memory_space<vmem>>) target_semaphore(%run_scoped3A : memref<!tpu.dma_semaphore, #tpu.memory_space<semaphore_mem>>)
      %dma_wait3A_19 = tpu.memref_slice %arg2[%add3A_4] : memref<4096xi32, #tpu.memory_space<hbm>> -> memref<64xi32, #tpu.memory_space<hbm>>
      %dma_wait3A_20 = tpu.memref_slice %arg2[%add3A_4] : memref<4096xi32, #tpu.memory_space<hbm>> -> memref<64xi32, #tpu.memory_space<hbm>>
      tpu.wait_dma2 semaphore(%run_scoped3A : memref<!tpu.dma_semaphore, #tpu.memory_space<semaphore_mem>>) src(%dma_wait3A_20 : memref<64xi32, #tpu.memory_space<hbm>>) dst(%arg5 : memref<64xi32, #tpu.memory_space<vmem>>)
      tpu.yield
    }) : () -> ()
    %dma_start3A = arith.constant 0 : i32
    %dma_start3A_5 = arith.constant 0 : i32
    %dma_start3A_6 = tpu.memref_slice %arg3[%dma_start3A, %dma_start3A_5] : memref<32000x1024xf32, #tpu.memory_space<hbm>> -> memref<32000x1024xf32, #tpu.memory_space<hbm>>
    tpu.enqueue_indirect_dma source(%dma_start3A_6 : memref<32000x1024xf32, #tpu.memory_space<hbm>>) target(%arg6 : memref<64x1024xf32, #tpu.memory_space<vmem>>) offsets(%arg5 : memref<64xi32, #tpu.memory_space<vmem>>) semaphore(%arg7 : memref<!tpu.dma_semaphore, #tpu.memory_space<semaphore_mem>>)
    %dma_wait3A = arith.constant 0 : i32
    %dma_wait3A_7 = arith.constant 0 : i32
    %dma_wait3A_8 = tpu.memref_slice %arg3[%dma_wait3A, %dma_wait3A_7] : memref<32000x1024xf32, #tpu.memory_space<hbm>> -> memref<32000x1024xf32, #tpu.memory_space<hbm>>
    tpu.wait_indirect_dma semaphore(%arg7 : memref<!tpu.dma_semaphore, #tpu.memory_space<semaphore_mem>>) src(%dma_wait3A_8 : memref<32000x1024xf32, #tpu.memory_space<hbm>>) dst(%arg6 : memref<64x1024xf32, #tpu.memory_space<vmem>>)
    "tpu.region"() ({
      %run_scoped3A = tpu.sem_alloc : memref<!tpu.dma_semaphore, #tpu.memory_space<semaphore_mem>>
      %dma_start3A_17 = arith.constant 0 : i32
      %dma_start3A_18 = tpu.memref_slice %arg4[%add3A_4, %dma_start3A_17] : memref<4096x1024xf32, #tpu.memory_space<hbm>> -> memref<64x1024xf32, #tpu.memory_space<hbm>>
      %dma_start3A_19 = arith.constant 0 : i32
      %dma_start3A_20 = tpu.memref_slice %arg4[%add3A_4, %dma_start3A_19] : memref<4096x1024xf32, #tpu.memory_space<hbm>> -> memref<64x1024xf32, #tpu.memory_space<hbm>>
      tpu.enqueue_dma source(%arg6 : memref<64x1024xf32, #tpu.memory_space<vmem>>) target(%dma_start3A_20 : memref<64x1024xf32, #tpu.memory_space<hbm>>) target_semaphore(%run_scoped3A : memref<!tpu.dma_semaphore, #tpu.memory_space<semaphore_mem>>)
      %dma_wait3A_21 = arith.constant 0 : i32
      %dma_wait3A_22 = tpu.memref_slice %arg4[%add3A_4, %dma_wait3A_21] : memref<4096x1024xf32, #tpu.memory_space<hbm>> -> memref<64x1024xf32, #tpu.memory_space<hbm>>
      %dma_wait3A_23 = arith.constant 0 : i32
      %dma_wait3A_24 = tpu.memref_slice %arg4[%add3A_4, %dma_wait3A_23] : memref<4096x1024xf32, #tpu.memory_space<hbm>> -> memref<64x1024xf32, #tpu.memory_space<hbm>>
      tpu.wait_dma2 semaphore(%run_scoped3A : memref<!tpu.dma_semaphore, #tpu.memory_space<semaphore_mem>>) src(%arg6 : memref<64x1024xf32, #tpu.memory_space<vmem>>) dst(%dma_wait3A_24 : memref<64x1024xf32, #tpu.memory_space<hbm>>)
      tpu.yield
    }) : () -> ()
    %add3A_9 = arith.constant 64 : i32
    %add3A_10 = arith.addi %mul3A_2, %add3A_9 : i32
    "tpu.region"() ({
      %run_scoped3A = tpu.sem_alloc : memref<!tpu.dma_semaphore, #tpu.memory_space<semaphore_mem>>
      %dma_start3A_17 = tpu.memref_slice %arg2[%add3A_10] : memref<4096xi32, #tpu.memory_space<hbm>> -> memref<64xi32, #tpu.memory_space<hbm>>
      %dma_start3A_18 = tpu.memref_slice %arg2[%add3A_10] : memref<4096xi32, #tpu.memory_space<hbm>> -> memref<64xi32, #tpu.memory_space<hbm>>
      tpu.enqueue_dma source(%dma_start3A_18 : memref<64xi32, #tpu.memory_space<hbm>>) target(%arg5 : memref<64xi32, #tpu.memory_space<vmem>>) target_semaphore(%run_scoped3A : memref<!tpu.dma_semaphore, #tpu.memory_space<semaphore_mem>>)
      %dma_wait3A_19 = tpu.memref_slice %arg2[%add3A_10] : memref<4096xi32, #tpu.memory_space<hbm>> -> memref<64xi32, #tpu.memory_space<hbm>>
      %dma_wait3A_20 = tpu.memref_slice %arg2[%add3A_10] : memref<4096xi32, #tpu.memory_space<hbm>> -> memref<64xi32, #tpu.memory_space<hbm>>
      tpu.wait_dma2 semaphore(%run_scoped3A : memref<!tpu.dma_semaphore, #tpu.memory_space<semaphore_mem>>) src(%dma_wait3A_20 : memref<64xi32, #tpu.memory_space<hbm>>) dst(%arg5 : memref<64xi32, #tpu.memory_space<vmem>>)
      tpu.yield
    }) : () -> ()
    %dma_start3A_11 = arith.constant 0 : i32
    %dma_start3A_12 = arith.constant 0 : i32
    %dma_start3A_13 = tpu.memref_slice %arg3[%dma_start3A_11, %dma_start3A_12] : memref<32000x1024xf32, #tpu.memory_space<hbm>> -> memref<32000x1024xf32, #tpu.memory_space<hbm>>
    tpu.enqueue_indirect_dma source(%dma_start3A_13 : memref<32000x1024xf32, #tpu.memory_space<hbm>>) target(%arg6 : memref<64x1024xf32, #tpu.memory_space<vmem>>) offsets(%arg5 : memref<64xi32, #tpu.memory_space<vmem>>) semaphore(%arg7 : memref<!tpu.dma_semaphore, #tpu.memory_space<semaphore_mem>>)
    %dma_wait3A_14 = arith.constant 0 : i32
    %dma_wait3A_15 = arith.constant 0 : i32
    %dma_wait3A_16 = tpu.memref_slice %arg3[%dma_wait3A_14, %dma_wait3A_15] : memref<32000x1024xf32, #tpu.memory_space<hbm>> -> memref<32000x1024xf32, #tpu.memory_space<hbm>>
    tpu.wait_indirect_dma semaphore(%arg7 : memref<!tpu.dma_semaphore, #tpu.memory_space<semaphore_mem>>) src(%dma_wait3A_16 : memref<32000x1024xf32, #tpu.memory_space<hbm>>) dst(%arg6 : memref<64x1024xf32, #tpu.memory_space<vmem>>)
    "tpu.region"() ({
      %run_scoped3A = tpu.sem_alloc : memref<!tpu.dma_semaphore, #tpu.memory_space<semaphore_mem>>
      %dma_start3A_17 = arith.constant 0 : i32
      %dma_start3A_18 = tpu.memref_slice %arg4[%add3A_10, %dma_start3A_17] : memref<4096x1024xf32, #tpu.memory_space<hbm>> -> memref<64x1024xf32, #tpu.memory_space<hbm>>
      %dma_start3A_19 = arith.constant 0 : i32
      %dma_start3A_20 = tpu.memref_slice %arg4[%add3A_10, %dma_start3A_19] : memref<4096x1024xf32, #tpu.memory_space<hbm>> -> memref<64x1024xf32, #tpu.memory_space<hbm>>
      tpu.enqueue_dma source(%arg6 : memref<64x1024xf32, #tpu.memory_space<vmem>>) target(%dma_start3A_20 : memref<64x1024xf32, #tpu.memory_space<hbm>>) target_semaphore(%run_scoped3A : memref<!tpu.dma_semaphore, #tpu.memory_space<semaphore_mem>>)
      %dma_wait3A_21 = arith.constant 0 : i32
      %dma_wait3A_22 = tpu.memref_slice %arg4[%add3A_10, %dma_wait3A_21] : memref<4096x1024xf32, #tpu.memory_space<hbm>> -> memref<64x1024xf32, #tpu.memory_space<hbm>>
      %dma_wait3A_23 = arith.constant 0 : i32
      %dma_wait3A_24 = tpu.memref_slice %arg4[%add3A_10, %dma_wait3A_23] : memref<4096x1024xf32, #tpu.memory_space<hbm>> -> memref<64x1024xf32, #tpu.memory_space<hbm>>
      tpu.wait_dma2 semaphore(%run_scoped3A : memref<!tpu.dma_semaphore, #tpu.memory_space<semaphore_mem>>) src(%arg6 : memref<64x1024xf32, #tpu.memory_space<vmem>>) dst(%dma_wait3A_24 : memref<64x1024xf32, #tpu.memory_space<hbm>>)
      tpu.yield
    }) : () -> ()
    return
  }
}

module attributes {stable_mosaic.version = 14 : i64} {
  func.func @body(%arg0: i32, %arg1: i32, %arg2: memref<256x1024xf32, #tpu.memory_space<vmem>>, %arg3: memref<256x128xf32, #tpu.memory_space<vmem>>, %arg4: memref<256x128xf32, #tpu.memory_space<vmem>>, %arg5: memref<1024x1024xbf16, #tpu.memory_space<vmem>>, %arg6: memref<1x1024xf32, #tpu.memory_space<vmem>>, %arg7: memref<1x1024xf32, #tpu.memory_space<vmem>>, %arg8: memref<256x1024xbf16, #tpu.memory_space<vmem>>) attributes {dimension_semantics = [#tpu.dimension_semantics<arbitrary>, #tpu.dimension_semantics<arbitrary>], iteration_bounds = array<i64: 16, 6>, scalar_prefetch = 0 : i64, scratch_operands = 0 : i64, tpu.core_type = #tpu.core_type<tc>, window_params = [{transform_indices = @transform_0, window_bounds = array<i64: 256, 1024>}, {transform_indices = @transform_1, window_bounds = array<i64: 256, 128>}, {transform_indices = @transform_2, window_bounds = array<i64: 256, 128>}, {transform_indices = @transform_3, window_bounds = array<i64: 1024, 1024>}, {pipeline_mode = #tpu.pipeline_mode<synchronous>, transform_indices = @transform_4, window_bounds = array<i64: 1, 1024>}, {pipeline_mode = #tpu.pipeline_mode<synchronous>, transform_indices = @transform_5, window_bounds = array<i64: 1, 1024>}, {transform_indices = @transform_6, window_bounds = array<i64: 256, 1024>}]} {
    %get3A = arith.constant 0 : index
    %get3A_0 = arith.constant 0 : index
    %get3A_1 = vector.load %arg2[%get3A, %get3A_0] : memref<256x1024xf32, #tpu.memory_space<vmem>>, vector<256x1024xf32>
    %get3A_2 = arith.constant 0 : index
    %get3A_3 = arith.constant 0 : index
    %get3A_4 = vector.load %arg3[%get3A_2, %get3A_3] : memref<256x128xf32, #tpu.memory_space<vmem>>, vector<256x128xf32>
    %slice3A = vector.extract_strided_slice %get3A_4 {offsets = [0, 0], sizes = [256, 1], strides = [1, 1]} : vector<256x128xf32> to vector<256x1xf32>
    %sub3A = vector.broadcast %slice3A : vector<256x1xf32> to vector<256x1024xf32>
    %sub3A_5 = arith.subf %get3A_1, %sub3A : vector<256x1024xf32>
    %get3A_6 = arith.constant 0 : index
    %get3A_7 = arith.constant 0 : index
    %get3A_8 = vector.load %arg4[%get3A_6, %get3A_7] : memref<256x128xf32, #tpu.memory_space<vmem>>, vector<256x128xf32>
    %slice3A_9 = vector.extract_strided_slice %get3A_8 {offsets = [0, 0], sizes = [256, 1], strides = [1, 1]} : vector<256x128xf32> to vector<256x1xf32>
    %add3A = arith.constant 9.99999974E-6 : f32
    %add3A_10 = vector.broadcast %add3A : f32 to vector<256x1xf32>
    %add3A_11 = arith.addf %slice3A_9, %add3A_10 : vector<256x1xf32>
    %sqrt3A = math.sqrt %add3A_11 : vector<256x1xf32>
    %div3A = vector.broadcast %sqrt3A : vector<256x1xf32> to vector<256x1024xf32>
    %div3A_12 = arith.divf %sub3A_5, %div3A : vector<256x1024xf32>
    %get3A_13 = arith.constant 0 : index
    %get3A_14 = arith.constant 0 : index
    %get3A_15 = vector.load %arg6[%get3A_13, %get3A_14] : memref<1x1024xf32, #tpu.memory_space<vmem>>, vector<1x1024xf32>
    %mul3A = vector.broadcast %get3A_15 : vector<1x1024xf32> to vector<256x1024xf32>
    %mul3A_16 = arith.mulf %div3A_12, %mul3A : vector<256x1024xf32>
    %get3A_17 = arith.constant 0 : index
    %get3A_18 = arith.constant 0 : index
    %get3A_19 = vector.load %arg7[%get3A_17, %get3A_18] : memref<1x1024xf32, #tpu.memory_space<vmem>>, vector<1x1024xf32>
    %add3A_20 = vector.broadcast %get3A_19 : vector<1x1024xf32> to vector<256x1024xf32>
    %add3A_21 = arith.addf %mul3A_16, %add3A_20 : vector<256x1024xf32>
    %convert_element_type3A = arith.truncf %add3A_21 : vector<256x1024xf32> to vector<256x1024xbf16>
    %get3A_22 = arith.constant 0 : index
    %get3A_23 = arith.constant 0 : index
    %get3A_24 = vector.load %arg5[%get3A_22, %get3A_23] : memref<1024x1024xbf16, #tpu.memory_space<vmem>>, vector<1024x1024xbf16>
    %dot_general3A = arith.constant dense<0.000000e+00> : vector<256x1024xf32>
    %dot_general3A_25 = tpu.matmul %convert_element_type3A, %get3A_24, %dot_general3A {dimension_numbers = #tpu.dot_dimension_numbers<[1], [0], [0], [1], [0, 0, 1, 1], [], []>, transpose_lhs_hint = false} : vector<256x1024xbf16>, vector<1024x1024xbf16>, vector<256x1024xf32> -> vector<256x1024xf32>
    %convert_element_type3A_26 = arith.truncf %dot_general3A_25 : vector<256x1024xf32> to vector<256x1024xbf16>
    %swap3A = arith.constant 0 : index
    %swap3A_27 = arith.constant 0 : index
    %swap3A_28 = vector.load %arg8[%swap3A, %swap3A_27] : memref<256x1024xbf16, #tpu.memory_space<vmem>>, vector<256x1024xbf16>
    tpu.vector_store %arg8[%swap3A, %swap3A_27], %convert_element_type3A_26 {strides = array<i32>} : memref<256x1024xbf16, #tpu.memory_space<vmem>>, vector<256x1024xbf16>,
    return
  }
  func.func @transform_0(%arg0: i32, %arg1: i32) -> (i32, i32) {
    %c0_i32 = arith.constant 0 : i32
    %c0_i32_0 = arith.constant 0 : i32
    return %arg0, %c0_i32 : i32, i32
  }
  func.func @transform_1(%arg0: i32, %arg1: i32) -> (i32, i32) {
    %c0_i32 = arith.constant 0 : i32
    %c0_i32_0 = arith.constant 0 : i32
    return %arg0, %c0_i32 : i32, i32
  }
  func.func @transform_2(%arg0: i32, %arg1: i32) -> (i32, i32) {
    %c0_i32 = arith.constant 0 : i32
    %c0_i32_0 = arith.constant 0 : i32
    return %arg0, %c0_i32 : i32, i32
  }
  func.func @transform_3(%arg0: i32, %arg1: i32) -> (i32, i32) {
    %c0_i32 = arith.constant 0 : i32
    %c0_i32_0 = arith.constant 0 : i32
    return %c0_i32, %arg1 : i32, i32
  }
  func.func @transform_4(%arg0: i32, %arg1: i32) -> (i32, i32) {
    %c0_i32 = arith.constant 0 : i32
    %c0_i32_0 = arith.constant 0 : i32
    %c0_i32_1 = arith.constant 0 : i32
    return %c0_i32, %c0_i32_0 : i32, i32
  }
  func.func @transform_5(%arg0: i32, %arg1: i32) -> (i32, i32) {
    %c0_i32 = arith.constant 0 : i32
    %c0_i32_0 = arith.constant 0 : i32
    %c0_i32_1 = arith.constant 0 : i32
    return %c0_i32, %c0_i32_0 : i32, i32
  }
  func.func @transform_6(%arg0: i32, %arg1: i32) -> (i32, i32) {
    %c0_i32 = arith.constant 0 : i32
    return %arg0, %arg1 : i32, i32
  }
}

module attributes {stable_mosaic.version = 14 : i64} {
  func.func @body(%arg0: i32, %arg1: i32, %arg2: i32, %arg3: memref<512x128xbf16, #tpu.memory_space<vmem>>, %arg4: memref<2048x128xbf16, #tpu.memory_space<vmem>>, %arg5: memref<2048x128xbf16, #tpu.memory_space<vmem>>, %arg6: memref<512x128xbf16, #tpu.memory_space<vmem>>) attributes {dimension_semantics = [#tpu.dimension_semantics<arbitrary>, #tpu.dimension_semantics<arbitrary>, #tpu.dimension_semantics<arbitrary>], iteration_bounds = array<i64: 2, 16, 4>, scalar_prefetch = 0 : i64, scratch_operands = 0 : i64, tpu.core_type = #tpu.core_type<tc>, window_params = [{transform_indices = @transform_0, window_bounds = array<i64: 512, 128>}, {transform_indices = @transform_1, window_bounds = array<i64: 2048, 128>}, {transform_indices = @transform_2, window_bounds = array<i64: 2048, 128>}, {transform_indices = @transform_3, window_bounds = array<i64: 512, 128>}]} {
    %get3A = arith.constant 0 : index
    %get3A_0 = arith.constant 0 : index
    %get3A_1 = vector.load %arg3[%get3A, %get3A_0] : memref<512x128xbf16, #tpu.memory_space<vmem>>, vector<512x128xbf16>
    %get3A_2 = arith.constant 0 : index
    %get3A_3 = arith.constant 0 : index
    %get3A_4 = vector.load %arg4[%get3A_2, %get3A_3] : memref<2048x128xbf16, #tpu.memory_space<vmem>>, vector<2048x128xbf16>
    %dot_general3A = arith.constant dense<0.000000e+00> : vector<512x2048xf32>
    %dot_general3A_5 = tpu.matmul %get3A_1, %get3A_4, %dot_general3A {dimension_numbers = #tpu.dot_dimension_numbers<[1], [1], [0], [0], [0, 0, 1, 0], [], []>, transpose_lhs_hint = false} : vector<512x128xbf16>, vector<2048x128xbf16>, vector<512x2048xf32> -> vector<512x2048xf32>
    %mul3A = arith.constant 1.250000e-01 : f32
    %mul3A_6 = vector.broadcast %mul3A : f32 to vector<512x2048xf32>
    %mul3A_7 = arith.mulf %dot_general3A_5, %mul3A_6 : vector<512x2048xf32>
    %reduce_max3A = arith.constant dense<0xFF800000> : vector<512xf32>
    %reduce_max3A_8 = vector.multi_reduction <maximumf>, %mul3A_7, %reduce_max3A [1] : vector<512x2048xf32> to vector<512xf32>
    %broadcast_in_dim3A = vector.shape_cast %reduce_max3A_8 : vector<512xf32> to vector<512x1xf32>
    %sub3A = vector.broadcast %broadcast_in_dim3A : vector<512x1xf32> to vector<512x2048xf32>
    %sub3A_9 = arith.subf %mul3A_7, %sub3A : vector<512x2048xf32>
    %exp3A = math.exp %sub3A_9 : vector<512x2048xf32>
    %reduce_sum3A = arith.constant dense<0.000000e+00> : vector<512xf32>
    %reduce_sum3A_10 = vector.multi_reduction <add>, %exp3A, %reduce_sum3A [1] : vector<512x2048xf32> to vector<512xf32>
    %broadcast_in_dim3A_11 = vector.shape_cast %reduce_sum3A_10 : vector<512xf32> to vector<512x1xf32>
    %div3A = vector.broadcast %broadcast_in_dim3A_11 : vector<512x1xf32> to vector<512x2048xf32>
    %div3A_12 = arith.divf %exp3A, %div3A : vector<512x2048xf32>
    %convert_element_type3A = arith.truncf %div3A_12 : vector<512x2048xf32> to vector<512x2048xbf16>
    %get3A_13 = arith.constant 0 : index
    %get3A_14 = arith.constant 0 : index
    %get3A_15 = vector.load %arg5[%get3A_13, %get3A_14] : memref<2048x128xbf16, #tpu.memory_space<vmem>>, vector<2048x128xbf16>
    %dot_general3A_16 = arith.constant dense<0.000000e+00> : vector<512x128xf32>
    %dot_general3A_17 = tpu.matmul %convert_element_type3A, %get3A_15, %dot_general3A_16 {dimension_numbers = #tpu.dot_dimension_numbers<[1], [0], [0], [1], [0, 0, 1, 1], [], []>, transpose_lhs_hint = false} : vector<512x2048xbf16>, vector<2048x128xbf16>, vector<512x128xf32> -> vector<512x128xf32>
    %convert_element_type3A_18 = arith.truncf %dot_general3A_17 : vector<512x128xf32> to vector<512x128xbf16>
    %swap3A = arith.constant 0 : index
    %swap3A_19 = arith.constant 0 : index
    %swap3A_20 = vector.load %arg6[%swap3A, %swap3A_19] : memref<512x128xbf16, #tpu.memory_space<vmem>>, vector<512x128xbf16>
    tpu.vector_store %arg6[%swap3A, %swap3A_19], %convert_element_type3A_18 {strides = array<i32>} : memref<512x128xbf16, #tpu.memory_space<vmem>>, vector<512x128xbf16>,
    return
  }
  func.func @transform_0(%arg0: i32, %arg1: i32, %arg2: i32) -> (i32, i32) {
    %mul3A = arith.constant 4 : i32
    %mul3A_0 = arith.muli %arg0, %mul3A : i32
    %add3A = arith.addi %mul3A_0, %arg2 : i32
    %c0_i32 = arith.constant 0 : i32
    return %add3A, %arg1 : i32, i32
  }
  func.func @transform_1(%arg0: i32, %arg1: i32, %arg2: i32) -> (i32, i32) {
    %add3A = arith.constant 16 : i32
    %add3A_0 = arith.addi %add3A, %arg1 : i32
    %c0_i32 = arith.constant 0 : i32
    return %arg0, %add3A_0 : i32, i32
  }
  func.func @transform_2(%arg0: i32, %arg1: i32, %arg2: i32) -> (i32, i32) {
    %add3A = arith.constant 32 : i32
    %add3A_0 = arith.addi %add3A, %arg1 : i32
    %c0_i32 = arith.constant 0 : i32
    return %arg0, %add3A_0 : i32, i32
  }
  func.func @transform_3(%arg0: i32, %arg1: i32, %arg2: i32) -> (i32, i32) {
    %mul3A = arith.constant 4 : i32
    %mul3A_0 = arith.muli %arg0, %mul3A : i32
    %add3A = arith.addi %mul3A_0, %arg2 : i32
    %c0_i32 = arith.constant 0 : i32
    return %add3A, %arg1 : i32, i32
  }
}

module attributes {stable_mosaic.version = 14 : i64} {
  func.func @body(%arg0: i32, %arg1: memref<256x2048xbf16, #tpu.memory_space<vmem>>, %arg2: memref<256x1024xf32, #tpu.memory_space<vmem>>, %arg3: memref<2048x1024xbf16, #tpu.memory_space<vmem>>, %arg4: memref<1x1024xf32, #tpu.memory_space<vmem>>, %arg5: memref<1x1024xf32, #tpu.memory_space<vmem>>, %arg6: memref<1x1024xf32, #tpu.memory_space<vmem>>, %arg7: memref<1024x128xbf16, #tpu.memory_space<vmem>>, %arg8: memref<1x128xf32, #tpu.memory_space<vmem>>, %arg9: memref<256x1024xbf16, #tpu.memory_space<vmem>>, %arg10: memref<256x128xf32, #tpu.memory_space<vmem>>) attributes {dimension_semantics = [#tpu.dimension_semantics<arbitrary>], iteration_bounds = array<i64: 16>, scalar_prefetch = 0 : i64, scratch_operands = 0 : i64, tpu.core_type = #tpu.core_type<tc>, window_params = [{transform_indices = @transform_0, window_bounds = array<i64: 256, 2048>}, {transform_indices = @transform_1, window_bounds = array<i64: 256, 1024>}, {pipeline_mode = #tpu.pipeline_mode<synchronous>, transform_indices = @transform_2, window_bounds = array<i64: 2048, 1024>}, {pipeline_mode = #tpu.pipeline_mode<synchronous>, transform_indices = @transform_3, window_bounds = array<i64: 1, 1024>}, {pipeline_mode = #tpu.pipeline_mode<synchronous>, transform_indices = @transform_4, window_bounds = array<i64: 1, 1024>}, {pipeline_mode = #tpu.pipeline_mode<synchronous>, transform_indices = @transform_5, window_bounds = array<i64: 1, 1024>}, {pipeline_mode = #tpu.pipeline_mode<synchronous>, transform_indices = @transform_6, window_bounds = array<i64: 1024, 128>}, {pipeline_mode = #tpu.pipeline_mode<synchronous>, transform_indices = @transform_7, window_bounds = array<i64: 1, 128>}, {transform_indices = @transform_8, window_bounds = array<i64: 256, 1024>}, {transform_indices = @transform_9, window_bounds = array<i64: 256, 128>}]} {
    %get3A = arith.constant 0 : index
    %get3A_0 = arith.constant 0 : index
    %get3A_1 = vector.load %arg1[%get3A, %get3A_0] : memref<256x2048xbf16, #tpu.memory_space<vmem>>, vector<256x2048xbf16>
    %get3A_2 = arith.constant 0 : index
    %get3A_3 = arith.constant 0 : index
    %get3A_4 = vector.load %arg3[%get3A_2, %get3A_3] : memref<2048x1024xbf16, #tpu.memory_space<vmem>>, vector<2048x1024xbf16>
    %dot_general3A = arith.constant dense<0.000000e+00> : vector<256x1024xf32>
    %dot_general3A_5 = tpu.matmul %get3A_1, %get3A_4, %dot_general3A {dimension_numbers = #tpu.dot_dimension_numbers<[1], [0], [0], [1], [0, 0, 1, 1], [], []>, transpose_lhs_hint = false} : vector<256x2048xbf16>, vector<2048x1024xbf16>, vector<256x1024xf32> -> vector<256x1024xf32>
    %get3A_6 = arith.constant 0 : index
    %get3A_7 = arith.constant 0 : index
    %get3A_8 = vector.load %arg4[%get3A_6, %get3A_7] : memref<1x1024xf32, #tpu.memory_space<vmem>>, vector<1x1024xf32>
    %add3A = vector.broadcast %get3A_8 : vector<1x1024xf32> to vector<256x1024xf32>
    %add3A_9 = arith.addf %dot_general3A_5, %add3A : vector<256x1024xf32>
    %get3A_10 = arith.constant 0 : index
    %get3A_11 = arith.constant 0 : index
    %get3A_12 = vector.load %arg2[%get3A_10, %get3A_11] : memref<256x1024xf32, #tpu.memory_space<vmem>>, vector<256x1024xf32>
    %add3A_13 = arith.addf %add3A_9, %get3A_12 : vector<256x1024xf32>
    %reduce_sum3A = arith.constant dense<0.000000e+00> : vector<256xf32>
    %reduce_sum3A_14 = vector.multi_reduction <add>, %add3A_13, %reduce_sum3A [1] : vector<256x1024xf32> to vector<256xf32>
    %broadcast_in_dim3A = vector.shape_cast %reduce_sum3A_14 : vector<256xf32> to vector<256x1xf32>
    %div3A = arith.constant 1.024000e+03 : f32
    %div3A_15 = vector.broadcast %div3A : f32 to vector<256x1xf32>
    %div3A_16 = arith.divf %broadcast_in_dim3A, %div3A_15 : vector<256x1xf32>
    %sub3A = vector.broadcast %div3A_16 : vector<256x1xf32> to vector<256x1024xf32>
    %sub3A_17 = arith.subf %add3A_13, %sub3A : vector<256x1024xf32>
    %mul3A = arith.mulf %sub3A_17, %sub3A_17 : vector<256x1024xf32>
    %reduce_sum3A_18 = arith.constant dense<0.000000e+00> : vector<256xf32>
    %reduce_sum3A_19 = vector.multi_reduction <add>, %mul3A, %reduce_sum3A_18 [1] : vector<256x1024xf32> to vector<256xf32>
    %broadcast_in_dim3A_20 = vector.shape_cast %reduce_sum3A_19 : vector<256xf32> to vector<256x1xf32>
    %div3A_21 = arith.constant 1.024000e+03 : f32
    %div3A_22 = vector.broadcast %div3A_21 : f32 to vector<256x1xf32>
    %div3A_23 = arith.divf %broadcast_in_dim3A_20, %div3A_22 : vector<256x1xf32>
    %add3A_24 = arith.constant 9.99999974E-6 : f32
    %add3A_25 = vector.broadcast %add3A_24 : f32 to vector<256x1xf32>
    %add3A_26 = arith.addf %div3A_23, %add3A_25 : vector<256x1xf32>
    %sqrt3A = math.sqrt %add3A_26 : vector<256x1xf32>
    %div3A_27 = vector.broadcast %sqrt3A : vector<256x1xf32> to vector<256x1024xf32>
    %div3A_28 = arith.divf %sub3A_17, %div3A_27 : vector<256x1024xf32>
    %get3A_29 = arith.constant 0 : index
    %get3A_30 = arith.constant 0 : index
    %get3A_31 = vector.load %arg5[%get3A_29, %get3A_30] : memref<1x1024xf32, #tpu.memory_space<vmem>>, vector<1x1024xf32>
    %mul3A_32 = vector.broadcast %get3A_31 : vector<1x1024xf32> to vector<256x1024xf32>
    %mul3A_33 = arith.mulf %div3A_28, %mul3A_32 : vector<256x1024xf32>
    %get3A_34 = arith.constant 0 : index
    %get3A_35 = arith.constant 0 : index
    %get3A_36 = vector.load %arg6[%get3A_34, %get3A_35] : memref<1x1024xf32, #tpu.memory_space<vmem>>, vector<1x1024xf32>
    %add3A_37 = vector.broadcast %get3A_36 : vector<1x1024xf32> to vector<256x1024xf32>
    %add3A_38 = arith.addf %mul3A_33, %add3A_37 : vector<256x1024xf32>
    %convert_element_type3A = arith.truncf %add3A_38 : vector<256x1024xf32> to vector<256x1024xbf16>
    %swap3A = arith.constant 0 : index
    %swap3A_39 = arith.constant 0 : index
    %swap3A_40 = vector.load %arg9[%swap3A, %swap3A_39] : memref<256x1024xbf16, #tpu.memory_space<vmem>>, vector<256x1024xbf16>
    tpu.vector_store %arg9[%swap3A, %swap3A_39], %convert_element_type3A {strides = array<i32>} : memref<256x1024xbf16, #tpu.memory_space<vmem>>, vector<256x1024xbf16>,
    %get3A_41 = arith.constant 0 : index
    %get3A_42 = arith.constant 0 : index
    %get3A_43 = vector.load %arg9[%get3A_41, %get3A_42] : memref<256x1024xbf16, #tpu.memory_space<vmem>>, vector<256x1024xbf16>
    %get3A_44 = arith.constant 0 : index
    %get3A_45 = arith.constant 0 : index
    %get3A_46 = vector.load %arg7[%get3A_44, %get3A_45] : memref<1024x128xbf16, #tpu.memory_space<vmem>>, vector<1024x128xbf16>
    %dot_general3A_47 = arith.constant dense<0.000000e+00> : vector<256x128xf32>
    %dot_general3A_48 = tpu.matmul %get3A_43, %get3A_46, %dot_general3A_47 {dimension_numbers = #tpu.dot_dimension_numbers<[1], [0], [0], [1], [0, 0, 1, 1], [], []>, transpose_lhs_hint = false} : vector<256x1024xbf16>, vector<1024x128xbf16>, vector<256x128xf32> -> vector<256x128xf32>
    %get3A_49 = arith.constant 0 : index
    %get3A_50 = arith.constant 0 : index
    %get3A_51 = vector.load %arg8[%get3A_49, %get3A_50] : memref<1x128xf32, #tpu.memory_space<vmem>>, vector<1x128xf32>
    %add3A_52 = vector.broadcast %get3A_51 : vector<1x128xf32> to vector<256x128xf32>
    %add3A_53 = arith.addf %dot_general3A_48, %add3A_52 : vector<256x128xf32>
    %iota3A = tpu.iota {dimensions = array<i32: 1>} : vector<256x128xi32>
    %lt3A = arith.constant 8 : i32
    %lt3A_54 = vector.broadcast %lt3A : i32 to vector<256x128xi32>
    %lt3A_55 = arith.cmpi slt, %iota3A, %lt3A_54 : vector<256x128xi32>
    %jit3A = arith.constant 0xFF800000 : f32
    %broadcast_in_dim3A_56 = vector.broadcast %jit3A : f32 to vector<256x128xf32>
    %select_n3A = arith.select %lt3A_55, %add3A_53, %broadcast_in_dim3A_56 : vector<256x128xi1>, vector<256x128xf32>
    %reduce_max3A = arith.constant dense<0xFF800000> : vector<256xf32>
    %reduce_max3A_57 = vector.multi_reduction <maximumf>, %select_n3A, %reduce_max3A [1] : vector<256x128xf32> to vector<256xf32>
    %broadcast_in_dim3A_58 = vector.shape_cast %reduce_max3A_57 : vector<256xf32> to vector<256x1xf32>
    %sub3A_59 = vector.broadcast %broadcast_in_dim3A_58 : vector<256x1xf32> to vector<256x128xf32>
    %sub3A_60 = arith.subf %select_n3A, %sub3A_59 : vector<256x128xf32>
    %exp3A = math.exp %sub3A_60 : vector<256x128xf32>
    %reduce_sum3A_61 = arith.constant dense<0.000000e+00> : vector<256xf32>
    %reduce_sum3A_62 = vector.multi_reduction <add>, %exp3A, %reduce_sum3A_61 [1] : vector<256x128xf32> to vector<256xf32>
    %broadcast_in_dim3A_63 = vector.shape_cast %reduce_sum3A_62 : vector<256xf32> to vector<256x1xf32>
    %div3A_64 = vector.broadcast %broadcast_in_dim3A_63 : vector<256x1xf32> to vector<256x128xf32>
    %div3A_65 = arith.divf %exp3A, %div3A_64 : vector<256x128xf32>
    %reduce_max3A_66 = arith.constant dense<0xFF800000> : vector<256xf32>
    %reduce_max3A_67 = vector.multi_reduction <maximumf>, %div3A_65, %reduce_max3A_66 [1] : vector<256x128xf32> to vector<256xf32>
    %broadcast_in_dim3A_68 = vector.shape_cast %reduce_max3A_67 : vector<256xf32> to vector<256x1xf32>
    %eq3A = vector.broadcast %broadcast_in_dim3A_68 : vector<256x1xf32> to vector<256x128xf32>
    %eq3A_69 = arith.cmpf oeq, %div3A_65, %eq3A : vector<256x128xf32>
    %jit3A_70 = arith.constant 128 : i32
    %broadcast_in_dim3A_71 = vector.broadcast %jit3A_70 : i32 to vector<256x128xi32>
    %select_n3A_72 = arith.select %eq3A_69, %iota3A, %broadcast_in_dim3A_71 : vector<256x128xi1>, vector<256x128xi32>
    %reduce_min3A = arith.constant dense<2147483647> : vector<256xi32>
    %reduce_min3A_73 = vector.multi_reduction <minsi>, %select_n3A_72, %reduce_min3A [1] : vector<256x128xi32> to vector<256xi32>
    %broadcast_in_dim3A_74 = vector.shape_cast %reduce_min3A_73 : vector<256xi32> to vector<256x1xi32>
    %eq3A_75 = vector.broadcast %broadcast_in_dim3A_74 : vector<256x1xi32> to vector<256x128xi32>
    %eq3A_76 = arith.cmpi eq, %iota3A, %eq3A_75 : vector<256x128xi32>
    %jit3A_77 = arith.constant -1.000000e+00 : f32
    %broadcast_in_dim3A_78 = vector.broadcast %jit3A_77 : f32 to vector<256x128xf32>
    %select_n3A_79 = arith.select %eq3A_76, %broadcast_in_dim3A_78, %div3A_65 : vector<256x128xi1>, vector<256x128xf32>
    %reduce_max3A_80 = arith.constant dense<0xFF800000> : vector<256xf32>
    %reduce_max3A_81 = vector.multi_reduction <maximumf>, %select_n3A_79, %reduce_max3A_80 [1] : vector<256x128xf32> to vector<256xf32>
    %broadcast_in_dim3A_82 = vector.shape_cast %reduce_max3A_81 : vector<256xf32> to vector<256x1xf32>
    %eq3A_83 = vector.broadcast %broadcast_in_dim3A_82 : vector<256x1xf32> to vector<256x128xf32>
    %eq3A_84 = arith.cmpf oeq, %select_n3A_79, %eq3A_83 : vector<256x128xf32>
    %jit3A_85 = arith.constant 128 : i32
    %broadcast_in_dim3A_86 = vector.broadcast %jit3A_85 : i32 to vector<256x128xi32>
    %select_n3A_87 = arith.select %eq3A_84, %iota3A, %broadcast_in_dim3A_86 : vector<256x128xi1>, vector<256x128xi32>
    %reduce_min3A_88 = arith.constant dense<2147483647> : vector<256xi32>
    %reduce_min3A_89 = vector.multi_reduction <minsi>, %select_n3A_87, %reduce_min3A_88 [1] : vector<256x128xi32> to vector<256xi32>
    %broadcast_in_dim3A_90 = vector.shape_cast %reduce_min3A_89 : vector<256xi32> to vector<256x1xi32>
    %eq3A_91 = vector.broadcast %broadcast_in_dim3A_74 : vector<256x1xi32> to vector<256x128xi32>
    %eq3A_92 = arith.cmpi eq, %iota3A, %eq3A_91 : vector<256x128xi32>
    %eq3A_93 = vector.broadcast %broadcast_in_dim3A_90 : vector<256x1xi32> to vector<256x128xi32>
    %eq3A_94 = arith.cmpi eq, %iota3A, %eq3A_93 : vector<256x128xi32>
    %or3A = arith.ori %eq3A_92, %eq3A_94 : vector<256x128xi1>
    %jit3A_95 = arith.constant 0.000000e+00 : f32
    %broadcast_in_dim3A_96 = vector.broadcast %jit3A_95 : f32 to vector<256x128xf32>
    %select_n3A_97 = arith.select %or3A, %div3A_65, %broadcast_in_dim3A_96 : vector<256x128xi1>, vector<256x128xf32>
    %swap3A_98 = arith.constant 0 : index
    %swap3A_99 = arith.constant 0 : index
    %swap3A_100 = vector.load %arg10[%swap3A_98, %swap3A_99] : memref<256x128xf32, #tpu.memory_space<vmem>>, vector<256x128xf32>
    tpu.vector_store %arg10[%swap3A_98, %swap3A_99], %select_n3A_97 {strides = array<i32>} : memref<256x128xf32, #tpu.memory_space<vmem>>, vector<256x128xf32>,
    return
  }
  func.func @transform_0(%arg0: i32) -> (i32, i32) {
    %c0_i32 = arith.constant 0 : i32
    %c0_i32_0 = arith.constant 0 : i32
    return %arg0, %c0_i32 : i32, i32
  }
  func.func @transform_1(%arg0: i32) -> (i32, i32) {
    %c0_i32 = arith.constant 0 : i32
    %c0_i32_0 = arith.constant 0 : i32
    return %arg0, %c0_i32 : i32, i32
  }
  func.func @transform_2(%arg0: i32) -> (i32, i32) {
    %c0_i32 = arith.constant 0 : i32
    %c0_i32_0 = arith.constant 0 : i32
    %c0_i32_1 = arith.constant 0 : i32
    return %c0_i32, %c0_i32_0 : i32, i32
  }
  func.func @transform_3(%arg0: i32) -> (i32, i32) {
    %c0_i32 = arith.constant 0 : i32
    %c0_i32_0 = arith.constant 0 : i32
    %c0_i32_1 = arith.constant 0 : i32
    return %c0_i32, %c0_i32_0 : i32, i32
  }
  func.func @transform_4(%arg0: i32) -> (i32, i32) {
    %c0_i32 = arith.constant 0 : i32
    %c0_i32_0 = arith.constant 0 : i32
    %c0_i32_1 = arith.constant 0 : i32
    return %c0_i32, %c0_i32_0 : i32, i32
  }
  func.func @transform_5(%arg0: i32) -> (i32, i32) {
    %c0_i32 = arith.constant 0 : i32
    %c0_i32_0 = arith.constant 0 : i32
    %c0_i32_1 = arith.constant 0 : i32
    return %c0_i32, %c0_i32_0 : i32, i32
  }
  func.func @transform_6(%arg0: i32) -> (i32, i32) {
    %c0_i32 = arith.constant 0 : i32
    %c0_i32_0 = arith.constant 0 : i32
    %c0_i32_1 = arith.constant 0 : i32
    return %c0_i32, %c0_i32_0 : i32, i32
  }
  func.func @transform_7(%arg0: i32) -> (i32, i32) {
    %c0_i32 = arith.constant 0 : i32
    %c0_i32_0 = arith.constant 0 : i32
    %c0_i32_1 = arith.constant 0 : i32
    return %c0_i32, %c0_i32_0 : i32, i32
  }
  func.func @transform_8(%arg0: i32) -> (i32, i32) {
    %c0_i32 = arith.constant 0 : i32
    %c0_i32_0 = arith.constant 0 : i32
    return %arg0, %c0_i32 : i32, i32
  }
  func.func @transform_9(%arg0: i32) -> (i32, i32) {
    %c0_i32 = arith.constant 0 : i32
    %c0_i32_0 = arith.constant 0 : i32
    return %arg0, %c0_i32 : i32, i32
  }
}

module attributes {stable_mosaic.version = 14 : i64} {
  func.func @body(%arg0: i32, %arg1: i32, %arg2: memref<256x1024xbf16, #tpu.memory_space<vmem>>, %arg3: memref<256x128xf32, #tpu.memory_space<vmem>>, %arg4: memref<1x1024x1024xbf16, #tpu.memory_space<vmem>>, %arg5: memref<128x1024xf32, #tpu.memory_space<vmem>>, %arg6: memref<256x1024xf32, #tpu.memory_space<vmem>>) attributes {dimension_semantics = [#tpu.dimension_semantics<arbitrary>, #tpu.dimension_semantics<arbitrary>], iteration_bounds = array<i64: 16, 8>, scalar_prefetch = 0 : i64, scratch_operands = 0 : i64, tpu.core_type = #tpu.core_type<tc>, window_params = [{transform_indices = @transform_0, window_bounds = array<i64: 256, 1024>}, {transform_indices = @transform_1, window_bounds = array<i64: 256, 128>}, {transform_indices = @transform_2, window_bounds = array<i64: 1, 1024, 1024>}, {pipeline_mode = #tpu.pipeline_mode<synchronous>, transform_indices = @transform_3, window_bounds = array<i64: 128, 1024>}, {transform_indices = @transform_4, window_bounds = array<i64: 256, 1024>}]} {
    %get3A = arith.constant 0 : index
    %get3A_0 = arith.constant 0 : index
    %get3A_1 = vector.load %arg3[%get3A, %get3A_0] : memref<256x128xf32, #tpu.memory_space<vmem>>, vector<256x128xf32>
    %eq3A = arith.constant 0 : i32
    %eq3A_2 = arith.cmpi eq, %arg1, %eq3A : i32
    %convert_element_type3A = arith.extui %eq3A_2 : i1 to i32
    %cond3A = arith.constant 0 : i32
    %cond3A_3 = arith.cmpi ne, %convert_element_type3A, %cond3A : i32
    scf.if %cond3A_3 {
      %get3A_23 = arith.constant 0 : index
      %get3A_24 = arith.constant 0 : index
      %get3A_25 = vector.load %arg5[%get3A_23, %get3A_24] : memref<128x1024xf32, #tpu.memory_space<vmem>>, vector<128x1024xf32>
      %dot_general3A_26 = arith.constant dense<0.000000e+00> : vector<256x1024xf32>
      %dot_general3A_27 = tpu.matmul %get3A_1, %get3A_25, %dot_general3A_26 {dimension_numbers = #tpu.dot_dimension_numbers<[1], [0], [0], [1], [0, 0, 1, 1], [], []>, transpose_lhs_hint = false} : vector<256x128xf32>, vector<128x1024xf32>, vector<256x1024xf32> -> vector<256x1024xf32>
      %swap3A_28 = arith.constant 0 : index
      %swap3A_29 = arith.constant 0 : index
      %swap3A_30 = vector.load %arg6[%swap3A_28, %swap3A_29] : memref<256x1024xf32, #tpu.memory_space<vmem>>, vector<256x1024xf32>
      tpu.vector_store %arg6[%swap3A_28, %swap3A_29], %dot_general3A_27 {strides = array<i32>} : memref<256x1024xf32, #tpu.memory_space<vmem>>, vector<256x1024xf32>,
    } else {
    }
    %get3A_4 = arith.constant 0 : index
    %get3A_5 = arith.constant 0 : index
    %get3A_6 = vector.load %arg2[%get3A_4, %get3A_5] : memref<256x1024xbf16, #tpu.memory_space<vmem>>, vector<256x1024xbf16>
    %get3A_7 = arith.constant 0 : index
    %get3A_8 = arith.constant 0 : index
    %get3A_9 = arith.constant 0 : index
    %get3A_10 = vector.load %arg4[%get3A_7, %get3A_8, %get3A_9] : memref<1x1024x1024xbf16, #tpu.memory_space<vmem>>, vector<1x1024x1024xbf16>
    %get3A_11 = vector.shape_cast %get3A_10 : vector<1x1024x1024xbf16> to vector<1024x1024xbf16>
    %dot_general3A = arith.constant dense<0.000000e+00> : vector<256x1024xf32>
    %dot_general3A_12 = tpu.matmul %get3A_6, %get3A_11, %dot_general3A {dimension_numbers = #tpu.dot_dimension_numbers<[1], [0], [0], [1], [0, 0, 1, 1], [], []>, transpose_lhs_hint = false} : vector<256x1024xbf16>, vector<1024x1024xbf16>, vector<256x1024xf32> -> vector<256x1024xf32>
    %iota3A = tpu.iota {dimensions = array<i32: 1>} : vector<256x128xi32>
    %eq3A_13 = vector.broadcast %arg1 : i32 to vector<256x128xi32>
    %eq3A_14 = arith.cmpi eq, %iota3A, %eq3A_13 : vector<256x128xi32>
    %jit3A = arith.constant 0.000000e+00 : f32
    %broadcast_in_dim3A = vector.broadcast %jit3A : f32 to vector<256x128xf32>
    %select_n3A = arith.select %eq3A_14, %get3A_1, %broadcast_in_dim3A : vector<256x128xi1>, vector<256x128xf32>
    %reduce_sum3A = arith.constant dense<0.000000e+00> : vector<256xf32>
    %reduce_sum3A_15 = vector.multi_reduction <add>, %select_n3A, %reduce_sum3A [1] : vector<256x128xf32> to vector<256xf32>
    %broadcast_in_dim3A_16 = vector.shape_cast %reduce_sum3A_15 : vector<256xf32> to vector<256x1xf32>
    %get3A_17 = arith.constant 0 : index
    %get3A_18 = arith.constant 0 : index
    %get3A_19 = vector.load %arg6[%get3A_17, %get3A_18] : memref<256x1024xf32, #tpu.memory_space<vmem>>, vector<256x1024xf32>
    %mul3A = vector.broadcast %broadcast_in_dim3A_16 : vector<256x1xf32> to vector<256x1024xf32>
    %mul3A_20 = arith.mulf %mul3A, %dot_general3A_12 : vector<256x1024xf32>
    %add3A = arith.addf %get3A_19, %mul3A_20 : vector<256x1024xf32>
    %swap3A = arith.constant 0 : index
    %swap3A_21 = arith.constant 0 : index
    %swap3A_22 = vector.load %arg6[%swap3A, %swap3A_21] : memref<256x1024xf32, #tpu.memory_space<vmem>>, vector<256x1024xf32>
    tpu.vector_store %arg6[%swap3A, %swap3A_21], %add3A {strides = array<i32>} : memref<256x1024xf32, #tpu.memory_space<vmem>>, vector<256x1024xf32>,
    return
  }
  func.func @transform_0(%arg0: i32, %arg1: i32) -> (i32, i32) {
    %c0_i32 = arith.constant 0 : i32
    %c0_i32_0 = arith.constant 0 : i32
    return %arg0, %c0_i32 : i32, i32
  }
  func.func @transform_1(%arg0: i32, %arg1: i32) -> (i32, i32) {
    %c0_i32 = arith.constant 0 : i32
    %c0_i32_0 = arith.constant 0 : i32
    return %arg0, %c0_i32 : i32, i32
  }
  func.func @transform_2(%arg0: i32, %arg1: i32) -> (i32, i32, i32) {
    %c0_i32 = arith.constant 0 : i32
    %c0_i32_0 = arith.constant 0 : i32
    %c0_i32_1 = arith.constant 0 : i32
    return %arg1, %c0_i32, %c0_i32_0 : i32, i32, i32
  }
  func.func @transform_3(%arg0: i32, %arg1: i32) -> (i32, i32) {
    %c0_i32 = arith.constant 0 : i32
    %c0_i32_0 = arith.constant 0 : i32
    %c0_i32_1 = arith.constant 0 : i32
    return %c0_i32, %c0_i32_0 : i32, i32
  }
  func.func @transform_4(%arg0: i32, %arg1: i32) -> (i32, i32) {
    %c0_i32 = arith.constant 0 : i32
    %c0_i32_0 = arith.constant 0 : i32
    return %arg0, %c0_i32 : i32, i32
  }
}

</mosaic_0001>

<sc_bundles>
// kernel: kernel.7.cloned.1.call-start
scs
__scs_entry_jumppad:
0x0: {  	(pc) =	sbr.rel $0x88, $3  }
0x1: {  	(tag) =	ssettag $0x0;
	lr =	simm.s32 $0x1  }
0x2: {  	[smem:$0x3F92] =	sst lr;
	_ =	strace $0xD0000000  }
0x3: {  	_ = 	snop  }
0x4: {  	_ = 	snop  }
0x5: {  	_ = 	snop  }
0x6: {  	_ = 	snop  }
0x7: {  	_ = 	snop  }
__scs_overlays_trampoline_lowered:
0x8: {  	[smem:$0x3FA1] =	sst s0  }
0x9: {  	[smem:$0x3FA2] =	sst s1  }
0xa: {  	[smem:$0x3FA3] =	sst s2  }
0xb: {  	[smem:$0x3FA4] =	sst s3  }
0xc: {  	[smem:$0x3FA5] =	sst s4  }
0xd: {  	[smem:$0x3FA6] =	sst s5  }
0xe: {  	[smem:$0x3FA7] =	sst s6  }
0xf: {  	[smem:$0x3FA8] =	sst s7  }
0x10: {  	[smem:$0x3FA9] =	sst s8  }
0x11: {  	[smem:$0x3FAA] =	sst s9;
	s0 =	simm.s32 @!p0 $0x0  }
0x12: {  	s1 =	sld [smem:$0x3F90];
	s0 =	simm.s32 @p0 $0x1  }
0x13: {  	[smem:$0x3FAB] =	sst s0;
	s0 =	simm.s32 @!p1 $0x0  }
0x14: {  	s2 =	sld [smem:$0x3F8F];
	s0 =	simm.s32 @p1 $0x1  }
0x15: {  	[smem:$0x3FAC] =	sst s0;
	s0 =	simm.s32 @!p2 $0x0  }
0x16: {  	s3 =	sld [smem:$0x3FDB];
	s0 =	simm.s32 @p2 $0x1  }
0x17: {  	s4 =	simm.s32 $0x1BF5;
	[smem:$0x3FAE] =	sst s0  }
0x18: {  	s0 =	sld [smem:$0x3F91];
	_ =	swait.ge [sflag:s4], $0x0  }
0x19: {  	s7 =	sld [smem:$0x3F92]  }
0x1a: {  	s8 =	sadd.s32 $0xFFFFE003, lr  }
0x1b: {  	s9 =	sadd.s32 $0xFFFFFEF7, lr;
	s5 =	simm.s32 $0xFFFFFFFF;
	p2 =	slt.u32 s8, $0xFFFFF086  }
0x1c: {  	p1 =	slt.u32 s9, $0xF7A;
	s5 =	simm.s32 @!p2 $0x0  }
0x1d: {  	s5 =	simm.s32 @p1 $0x1;
	p0 =	seq.s32 s7, s2  }
0x1e: {  	s7 =	smul.u32 @!p0 $0xF7A, s2;
	p2 =	seq.s32 @!p0 s5, $0x0  }
0x1f: {  	s9 =	smul.u32 $0xF7A, s1;
	s8 =	simm.s32 @!p0 $0x1BF5;
	p2 =	por !p2, p0  }
0x20: {  	[sflag:s8] =	ssyncset.s32 @!p0 $0xFFFFF086;
	s6 =	sadd.s32 @!p0 s3, s7;
	s7 =	simm.s32 @!p0 $0x108  }
0x21: {  	s3 =	sadd.s32 s3, s9;
	s6 =	sadd.s32 @!p0 $0x88, s6;
	s7 =	simm.s32 @p2 $0x1082  }
0x22: {  	[simem:s7], [sflag:s8] =	dma.local @!p0 [hbm:s6], $0xF7A  }
0x23: {  	s9 =	sor.u32 $0xD0000000, s2;
	s6 =	simm.s32 $0x108;
	_ =	swait.ge @!p0 [sflag:s8], $0x0  }
0x24: {  	s3 =	sadd.s32 $0x88, s3;
	s6 =	simm.s32 @!p1 $0x1082;
	[sflag:s4] =	ssyncset.s32 $0xFFFFF086  }
0x25: {  	[simem:s6], [sflag:s4] =	dma.local [hbm:s3], $0xF7A  }
0x26: {  	[smem:$0x3F92] =	sst s1;
	(tag) =	ssettag s2;
	_ =	strace s9  }
0x27: {  	s1 =	sld [smem:$0x3FA2]  }
0x28: {  	s2 =	sld [smem:$0x3FA3]  }
0x29: {  	s4 =	sld [smem:$0x3FA5]  }
0x2a: {  	p0 =	seq.s32 s5, $0x0;
	s5 =	sld [smem:$0x3FA6]  }
0x2b: {  	s6 =	sld [smem:$0x3FA7]  }
0x2c: {  	s7 =	sld [smem:$0x3FA8]  }
0x2d: {  	s3 =	simm.s32 $0x108;
	s8 =	sld [smem:$0x3FA9]  }
0x2e: {  	s3 =	simm.s32 @!p0 $0x1082;
	s9 =	sld [smem:$0x3FAA]  }
0x2f: {  	lr =	sadd.s32 s0, s3;
	s0 =	sld [smem:$0x3FA1]  }
0x30: {  	s3 =	sld [smem:$0x3FA4]  }
0x31: {  	[smem:$0x3FAD] =	sst s10  }
0x32: {  	s10 =	sld [smem:$0x3FAB];
	_ =	sdelay $0x3  }
0x33: {  	p0 =	seq.s32 s10, $0x1;
	s10 =	sld [smem:$0x3FAD];
	_ =	sdelay $0x3  }
0x34: {  	[smem:$0x3FAD] =	sst s10  }
0x35: {  	s10 =	sld [smem:$0x3FAC];
	_ =	sdelay $0x3  }
0x36: {  	p1 =	seq.s32 s10, $0x1;
	s10 =	sld [smem:$0x3FAD];
	_ =	sdelay $0x3  }
0x37: {  	[smem:$0x3FAD] =	sst s10  }
0x38: {  	s10 =	sld [smem:$0x3FAE]  }
0x39: {  	_ = 	snop;
	(pc) =	sbr.ind lr, $3  }
0x3a: {  	_ = 	snop  }
0x3b: {  	_ = 	snop  }
0x3c: {  	p2 =	seq.s32 s10, $0x1;
	s10 =	sld [smem:$0x3FAD]  }
0x3d: {  	_ =	shalt  }
0x3e: {  	_ =	shalt  }
0x3f: {  	_ =	shalt  }
0x40: {  	_ =	shalt  }
0x41: {  	_ =	shalt  }
0x42: {  	_ =	shalt  }
0x43: {  	_ =	shalt  }
0x44: {  	_ =	shalt  }
0x45: {  	_ =	shalt  }
0x46: {  	_ =	shalt  }
0x47: {  	_ =	shalt  }
0x48: {  	_ =	shalt  }
0x49: {  	_ =	shalt  }
0x4a: {  	_ =	shalt  }
0x4b: {  	_ =	shalt  }
0x4c: {  	_ =	shalt  }
0x4d: {  	_ =	shalt  }
0x4e: {  	_ =	shalt  }
0x4f: {  	_ =	shalt  }
0x50: {  	_ =	shalt  }
0x51: {  	_ =	shalt  }
0x52: {  	_ =	shalt  }
0x53: {  	_ =	shalt  }
0x54: {  	_ =	shalt  }
0x55: {  	_ =	shalt  }
0x56: {  	_ =	shalt  }
0x57: {  	_ =	shalt  }
0x58: {  	_ =	shalt  }
0x59: {  	_ =	shalt  }
0x5a: {  	_ =	shalt  }
0x5b: {  	_ =	shalt  }
0x5c: {  	_ =	shalt  }
0x5d: {  	_ =	shalt  }
0x5e: {  	_ =	shalt  }
0x5f: {  	_ =	shalt  }
0x60: {  	_ =	shalt  }
0x61: {  	_ =	shalt  }
0x62: {  	_ =	shalt  }
0x63: {  	_ =	shalt  }
0x64: {  	_ =	shalt  }
0x65: {  	_ =	shalt  }
0x66: {  	_ =	shalt  }
0x67: {  	_ =	shalt  }
0x68: {  	_ =	shalt  }
0x69: {  	_ =	shalt  }
0x6a: {  	_ =	shalt  }
0x6b: {  	_ =	shalt  }
0x6c: {  	_ =	shalt  }
0x6d: {  	_ =	shalt  }
0x6e: {  	_ =	shalt  }
0x6f: {  	_ =	shalt  }
0x70: {  	_ =	shalt  }
0x71: {  	_ =	shalt  }
0x72: {  	_ =	shalt  }
0x73: {  	_ =	shalt  }
0x74: {  	_ =	shalt  }
0x75: {  	_ =	shalt  }
0x76: {  	_ =	shalt  }
0x77: {  	_ =	shalt  }
0x78: {  	_ =	shalt  }
0x79: {  	_ =	shalt  }
0x7a: {  	_ =	shalt  }
0x7b: {  	_ =	shalt  }
0x7c: {  	_ =	shalt  }
0x7d: {  	_ =	shalt  }
0x7e: {  	_ =	shalt  }
0x7f: {  	_ =	shalt  }
0x80: {  	_ =	shalt  }
0x81: {  	_ =	shalt  }
0x82: {  	_ =	shalt  }
0x83: {  	_ =	shalt  }
0x84: {  	_ =	shalt  }
0x85: {  	_ =	shalt  }
0x86: {  	_ =	shalt  }
0x87: {  	_ =	shalt  }
.Lfunc_end0:
.L_simem_size_0:
called_computation_lowered:
.L_overlay_start_0:
0x88: {  	s2 =	sld [smem:$0x3FD9]  }
0x89: {  	s3 =	sld [smem:$0x3FFE];
	_ =	sdelay $0x1  }
0x8a: {  	s1 =	srdreg.scid  }
0x8b: {  	s0 =	sand.u32 $0x1, s1  }
0x8c: {  	s17 =	sshll.u32 s0, $0xA;
	s2 =	sadd.s32 s3, s2  }
0x8d: {  	s2 =	sadd.s32 s2, s17  }
0x8e: {  	[smem:$0x3FB9] =	sst s2  }
0x8f: {  	_ = 	snop  }
0x90: {  	s2 =	sld [smem:$0x3FC8]  }
0x91: {  	s18 =	sld [smem:$0x3FD0];
	(tm) =	ssettm $0x1  }
0x92: {  	s4 =	sld [smem:$0x3FFB];
	_ =	sdelay $0x3  }
0x93: {  	_ =	strace s4  }
0x94: {  	s4 =	sld [smem:$0x3FFC];
	_ =	sdelay $0x3  }
0x95: {  	_ =	strace s4  }
0x96: {  	s4 =	sld [smem:$0x3FFD];
	_ =	sdelay $0x3  }
0x97: {  	_ =	strace s4  }
0x98: {  	_ =	strace $0x8FFFFFFF  }
0x99: {  	s19 =	sld [smem:$0x3FDB];
	_ =	sdelay $0x1  }
0x9a: {  	s5 =	simm.s32 $_scs_section_size  }
0x9b: {  	s6 =	simm.s32 $_size__tile_overlayer_lowered;
	s7 =	simm.s32 $_tile_overlayer_lowered  }
0x9c: {  	s22 =	simm.s32 $0x1BFF;
	s21 =	sshll.u32 s7, $0x1;
	s4 =	sadd.s32 s5, s19  }
0x9d: {  	s8 =	simm.s32 $0x0;
	s20 =	sshll.u32 s6, $0x1;
	s6 =	sadd.s32 s21, s4  }
0x9e: {  	[timem:s8], [sflag:s22] =	dma.local [hbm:s6], s20  }
0x9f: {  	_ =	swait.ge [sflag:s22], s20  }
0xa0: {  	s5 =	ssub.s32 $0x0, s20;
	[sflag:s22] =	ssyncset.done $0x0  }
0xa1: {  	[sflag:s22] =	ssyncadd.s32 s5;
	_ =	sdelay $0x1  }
0xa2: {  	s23 =	simm.s32 $0x1B8B  }
0xa3: {  	_ =	swait.ge [sflag:s23], $0x1  }
0xa4: {  	[sflag:s23] =	ssyncset.done $0x0  }
0xa5: {  	s25 =	simm.s32 $0x1B8E;
	s24 =	sld [smem:$0x3FFE];
	[sflag:s23] =	ssyncadd.s32 $0xFFFFFFFF  }
0xa6: {  	s26 =	simm.s32 $execute0_lowered;
	[smem:$0x3FD2] =	sst s25  }
0xa7: {  	s6 =	sshll.u32 s26, $0x1;
	_ =	strace $0x80000046;
	[dreg:$0x1] =	wrdreg $0xFFFFFFFF  }
0xa8: {  	s28 =	simm.s32 $_size_execute0_lowered;
	s4 =	sadd.s32 s4, s6;
	[dreg:$0x0] =	wrdreg $0x0  }
0xa9: {  	s6 =	sshll.u32 s28, $0x1;
	[dreg:$0x2] =	wrdreg s4  }
0xaa: {  	[dreg:$0x3] =	wrdreg s6  }
0xab: {  	[dreg:$0x4] =	wrdreg $0xC0  }
0xac: {  	_ =	task [dreg:s8], $0x5FFFF  }
0xad: {  	[dreg:$0x1] =	wrdreg $0xFFFFFFFF  }
0xae: {  	[dreg:$0x0] =	wrdreg $0x60  }
0xaf: {  	[dreg:$0x2] =	wrdreg s18  }
0xb0: {  	[dreg:$0x3] =	wrdreg s2  }
0xb1: {  	[dreg:$0x4] =	wrdreg s24  }
0xb2: {  	[dreg:$0x5] =	wrdreg $0x9  }
0xb3: {  	_ =	task.clear_ibuf [dreg:s8], $0x6FFFF;
	_ =	strace $0x90000046  }
0xb4: {  	s29 =	simm.s32 $0x9;
	_ =	strace $0x80000048  }
0xb5: {  	_ =	swait.ge [sflag:s29], $0x1  }
0xb6: {  	[sflag:s29] =	ssyncadd.s32 $0xFFFFFFFF  }
0xb7: {  	_ =	strace $0x90000048  }
0xb8: {  	_ =	sfence  }
0xb9: {  	s30 =	sld [smem:$0x0];
	_ =	sdelay $0x2  }
0xba: {  	s31 =	sshll.u32 s1, $0xD;
	s1 =	sshrl.u32 s1, $0x2  }
0xbb: {  	s3 =	sand.u32 $0x4000, s31;
	s1 =	sadd.s32 s1, s30  }
0xbc: {  	s0 =	sor.u32 s3, s0;
	s1 =	sshll.u32 s1, $0x11  }
0xbd: {  	s0 =	sor.u32 s1, s0  }
0xbe: {  	s0 =	sadd.s32 $0x8F2B, s0  }
0xbf: {  	[sflag:s0] =	ssyncadd.remote.s32 $0x1  }
0xc0: {  	_ =	sfence.sel $0xFFFF  }
0xc1: {  	[dreg:$0x0] =	wrdreg $0xFFFFFFFF;
	(pc) =	sbr.abs _section_cstart, $3  }
0xc2: {  	[dreg:$0x1] =	wrdreg $0xFFFFFFFF  }
0xc3: {  	_ =	task.clear_ibuf [dreg:s8], $0x2FFFF;
	_ =	strace $0x9FFFFFFF  }
0xc4: {  	(tm) =	ssettm $0x7FFFFFFF  }
0xc5: {  	_ =	shalt  }
tec
execute0_lowered:
.L_overlay_start_1:
0x0: {  	(tag) =	ssettag $0x1  }
0x1: {  	s0 =	rddreg [dreg:$0x0];
	s1 =	srdreg.scid  }
0x2: {  	s2 =	rddreg [dreg:$0x1];
	s3 =	stileid.u32  }
0x3: {  	s4 =	rddreg [dreg:$0x2];
	s18 =	simm.s32 $0x1;
	s20 =	simm.s32 $0x880  }
0x4: {  	s21 =	simm.s32 $0x1080;
	s22 =	simm.s32 $0x1880;
	s23 =	simm.s32 $0x2080  }
0x5: {  	s28 =	simm.s32 $0x4080;
	s29 =	simm.s32 $0x4880;
	s30 =	simm.s32 $0x5080  }
0x6: {  	s31 =	simm.s32 $0x5880;
	s10 =	simm.s32 $0x7080;
	s11 =	simm.s32 $0x7880  }
0x7: {  	s12 =	simm.s32 $0x8080;
	s13 =	simm.s32 $0x8880;
	s14 =	simm.s32 $0x9080  }
0x8: {  	s15 =	simm.s32 $0x9880;
	s16 =	simm.s32 $0xA080;
	s17 =	simm.s32 $0xA880  }
0x9: {  	s1 =	sand.u32 $0x1, s1;
	s5 =	sshll.u32 s3, $0x8;
	s3 =	simm.s32 $0x0  }
0xa: {  	s8 =	sadd.s32 $0x1600, s4;
	s4 =	sadd.s32 $0x100, s2;
	s6 =	sshll.u32 s1, $0x7  }
0xb: {  	[smem:$0x7FF] =	sst s3;
	s1 =	ssub.s32 $0x2, s1;
	s5 =	sor.u32 s6, s5  }
0xc: {  	_ =	strace $0x80000047;
	s7 =	sshrl.u32 s1, $0x1;
	s6 =	sshrl.u32 s5, $0x3  }
0xd: {  	s1 =	ssub.s32 s1, s7;
	s24 =	sshll.u32 s5, $0x7;
	s25 =	sor.u32 $0x40, s5  }
0xe: {  	s5 =	sadd.s32 $0x200, s2;
	s6 =	sadd.s32 s0, s6;
	s9 =	sshrl.u32 s25, $0x3  }
0xf: {  	s7 =	sshll.u32 s25, $0x7;
	s25 =	simm.s32 $0x3080;
	[dreg:$0x4] =	wrdreg s6  }
0x10: {  	s6 =	sadd.s32 s8, s24;
	s0 =	sadd.s32 s0, s9;
	s26 =	sadd.s32 s8, s7  }
0x11: {  	v2 =	vlaneseq.u32;
	s7 =	smax.u32 s1, $0x1;
	s8 =	simm.s32 $0x2;
	[dreg:$0x5] =	wrdreg s6  }
0x12: {  	vm0 =	vmmov $0xffff;
	v1 =	vshrl.u32 v2, $0x3;
	s24 =	simm.s32 $0x2880;
	s6 =	sadd.s32 $0x300, s2;
	[dreg:$0x6] =	wrdreg s0  }
0x13: {  	v0 =	vand.u32 $0x7, v2;
	v2 =	vor.u32 $0x8, v2;
	v1 =	vmul.u32 $0x8, v1;
	[dreg:$0x7] =	wrdreg s26;
	s0 =	simm.s32 $0x80;
	s26 =	simm.s32 $0x3880  }
.LBB2_1:
0x14: {  	s19 =	rddreg [dreg:$0x4]  }
0x15: {  	[tilespmem:s3], [sflag:$0x2] =	stream.linear.gather [hbm4b:s19+s3], $0x40, $0x38;
	[tilespmem:$0x10080] =	vst v63  }
0x16: {  	_ =	swait.ge [sflag:s8], $0x40  }
0x17: {  	[sflag:s8] =	ssyncset.done $0x0  }
0x18: {  	[sflag:s8] =	ssyncadd.s32 $0xFFFFFFC0  }
0x19: {  	v3 =	vld [tilespmem:$0x0];
	_ =	sdelay $0x4  }
0x1a: {  	v4 =	vshll.u32 v3, $0x3  }
0x1b: {  	v3 =	vand.u32 $0x7, v3;
	v4 =	vand.u32 $0xFFFFFFC0, v4  }
0x1c: {  	v3 =	vor.u32 v3, v4  }
0x1d: {  	v4 =	vperm.xlane v3, v0;
	_ =	sdelay $0x1  }
0x1e: {  	v4 =	vadd.s32 v1, v4;
	_ =	sdelay $0x4  }
0x1f: {  	[tilespmem:s0], [sflag:$0x1] =	stream.indirect_vreg.gather [hbm4b:s2+s3], $0x80, v4, vm0, $0xb8;
	[tilespmem:$0x10080] =	vst v63  }
0x20: {  	v3 =	vperm.xlane v3, v2  }
0x21: {  	[tilespmem:s20], [sflag:$0x1] =	stream.indirect_vreg.gather [hbm4b:s4+s3], $0x80, v4, vm0, $0xb8;
	[tilespmem:$0x10080] =	vst v63  }
0x22: {  	v3 =	vadd.s32 v1, v3  }
0x23: {  	[tilespmem:s21], [sflag:$0x1] =	stream.indirect_vreg.gather [hbm4b:s5+s3], $0x80, v4, vm0, $0xb8;
	[tilespmem:$0x10080] =	vst v63  }
0x24: {  	_ = 	snop  }
0x25: {  	[tilespmem:s22], [sflag:$0x1] =	stream.indirect_vreg.gather [hbm4b:s6+s3], $0x80, v4, vm0, $0xb8;
	[tilespmem:$0x10080] =	vst v63  }
0x26: {  	_ = 	snop  }
0x27: {  	[tilespmem:s23], [sflag:$0x1] =	stream.indirect_vreg.gather [hbm4b:s2+s3], $0x80, v3, vm0, $0xb8;
	[tilespmem:$0x10080] =	vst v63  }
0x28: {  	_ = 	snop  }
0x29: {  	[tilespmem:s24], [sflag:$0x1] =	stream.indirect_vreg.gather [hbm4b:s4+s3], $0x80, v3, vm0, $0xb8;
	[tilespmem:$0x10080] =	vst v63  }
0x2a: {  	_ = 	snop  }
0x2b: {  	[tilespmem:s25], [sflag:$0x1] =	stream.indirect_vreg.gather [hbm4b:s5+s3], $0x80, v3, vm0, $0xb8;
	[tilespmem:$0x10080] =	vst v63  }
0x2c: {  	_ = 	snop  }
0x2d: {  	[tilespmem:s26], [sflag:$0x1] =	stream.indirect_vreg.gather [hbm4b:s6+s3], $0x80, v3, vm0, $0xb8;
	[tilespmem:$0x10080] =	vst v63  }
0x2e: {  	v3 =	vld [tilespmem:$0x10];
	_ =	sdelay $0x4  }
0x2f: {  	v57 =	vshll.u32 v3, $0x3  }
0x30: {  	v3 =	vand.u32 $0x7, v3;
	v4 =	vand.u32 $0xFFFFFFC0, v57  }
0x31: {  	v3 =	vor.u32 v3, v4  }
0x32: {  	v4 =	vperm.xlane v3, v0;
	_ =	sdelay $0x1  }
0x33: {  	v4 =	vadd.s32 v1, v4;
	_ =	sdelay $0x4  }
0x34: {  	[tilespmem:s28], [sflag:$0x1] =	stream.indirect_vreg.gather [hbm4b:s2+s3], $0x80, v4, vm0, $0xb8;
	[tilespmem:$0x10080] =	vst v63  }
0x35: {  	v3 =	vperm.xlane v3, v2  }
0x36: {  	[tilespmem:s29], [sflag:$0x1] =	stream.indirect_vreg.gather [hbm4b:s4+s3], $0x80, v4, vm0, $0xb8;
	[tilespmem:$0x10080] =	vst v63  }
0x37: {  	v3 =	vadd.s32 v1, v3  }
0x38: {  	[tilespmem:s30], [sflag:$0x1] =	stream.indirect_vreg.gather [hbm4b:s5+s3], $0x80, v4, vm0, $0xb8;
	[tilespmem:$0x10080] =	vst v63  }
0x39: {  	_ = 	snop  }
0x3a: {  	[tilespmem:s31], [sflag:$0x1] =	stream.indirect_vreg.gather [hbm4b:s6+s3], $0x80, v4, vm0, $0xb8;
	[tilespmem:$0x10080] =	vst v63  }
0x3b: {  	s1 =	simm.s32 $0x6080  }
0x3c: {  	[tilespmem:s1], [sflag:$0x1] =	stream.indirect_vreg.gather [hbm4b:s2+s3], $0x80, v3, vm0, $0xb8;
	[tilespmem:$0x10080] =	vst v63  }
0x3d: {  	s9 =	simm.s32 $0x6880  }
0x3e: {  	[tilespmem:s9], [sflag:$0x1] =	stream.indirect_vreg.gather [hbm4b:s4+s3], $0x80, v3, vm0, $0xb8;
	[tilespmem:$0x10080] =	vst v63  }
0x3f: {  	_ = 	snop  }
0x40: {  	[tilespmem:s10], [sflag:$0x1] =	stream.indirect_vreg.gather [hbm4b:s5+s3], $0x80, v3, vm0, $0xb8;
	[tilespmem:$0x10080] =	vst v63  }
0x41: {  	_ = 	snop  }
0x42: {  	[tilespmem:s11], [sflag:$0x1] =	stream.indirect_vreg.gather [hbm4b:s6+s3], $0x80, v3, vm0, $0xb8;
	[tilespmem:$0x10080] =	vst v63  }
0x43: {  	v3 =	vld [tilespmem:$0x20];
	_ =	sdelay $0x4  }
0x44: {  	v58 =	vshll.u32 v3, $0x3  }
0x45: {  	v3 =	vand.u32 $0x7, v3;
	v4 =	vand.u32 $0xFFFFFFC0, v58  }
0x46: {  	v3 =	vor.u32 v3, v4  }
0x47: {  	v4 =	vperm.xlane v3, v0;
	_ =	sdelay $0x1  }
0x48: {  	v4 =	vadd.s32 v1, v4;
	_ =	sdelay $0x4  }
0x49: {  	[tilespmem:s12], [sflag:$0x1] =	stream.indirect_vreg.gather [hbm4b:s2+s3], $0x80, v4, vm0, $0xb8;
	[tilespmem:$0x10080] =	vst v63  }
0x4a: {  	v3 =	vperm.xlane v3, v2  }
0x4b: {  	[tilespmem:s13], [sflag:$0x1] =	stream.indirect_vreg.gather [hbm4b:s4+s3], $0x80, v4, vm0, $0xb8;
	[tilespmem:$0x10080] =	vst v63  }
0x4c: {  	v3 =	vadd.s32 v1, v3  }
0x4d: {  	[tilespmem:s14], [sflag:$0x1] =	stream.indirect_vreg.gather [hbm4b:s5+s3], $0x80, v4, vm0, $0xb8;
	[tilespmem:$0x10080] =	vst v63  }
0x4e: {  	_ = 	snop  }
0x4f: {  	[tilespmem:s15], [sflag:$0x1] =	stream.indirect_vreg.gather [hbm4b:s6+s3], $0x80, v4, vm0, $0xb8;
	[tilespmem:$0x10080] =	vst v63  }
0x50: {  	_ = 	snop  }
0x51: {  	[tilespmem:s16], [sflag:$0x1] =	stream.indirect_vreg.gather [hbm4b:s2+s3], $0x80, v3, vm0, $0xb8;
	[tilespmem:$0x10080] =	vst v63  }
0x52: {  	_ = 	snop  }
0x53: {  	[tilespmem:s17], [sflag:$0x1] =	stream.indirect_vreg.gather [hbm4b:s4+s3], $0x80, v3, vm0, $0xb8;
	[tilespmem:$0x10080] =	vst v63  }
0x54: {  	s9 =	simm.s32 $0xB080  }
0x55: {  	[tilespmem:s9], [sflag:$0x1] =	stream.indirect_vreg.gather [hbm4b:s5+s3], $0x80, v3, vm0, $0xb8;
	[tilespmem:$0x10080] =	vst v63  }
0x56: {  	s19 =	simm.s32 $0xB880  }
0x57: {  	[tilespmem:s19], [sflag:$0x1] =	stream.indirect_vreg.gather [hbm4b:s6+s3], $0x80, v3, vm0, $0xb8;
	[tilespmem:$0x10080] =	vst v63  }
0x58: {  	v3 =	vld [tilespmem:$0x30];
	_ =	sdelay $0x4  }
0x59: {  	v59 =	vshll.u32 v3, $0x3  }
0x5a: {  	v3 =	vand.u32 $0x7, v3;
	v4 =	vand.u32 $0xFFFFFFC0, v59  }
0x5b: {  	v3 =	vor.u32 v3, v4  }
0x5c: {  	v4 =	vperm.xlane v3, v0;
	_ =	sdelay $0x1  }
0x5d: {  	v4 =	vadd.s32 v1, v4;
	_ =	sdelay $0x3  }
0x5e: {  	s19 =	simm.s32 $0xC080  }
0x5f: {  	[tilespmem:s19], [sflag:$0x1] =	stream.indirect_vreg.gather [hbm4b:s2+s3], $0x80, v4, vm0, $0xb8;
	[tilespmem:$0x10080] =	vst v63  }
0x60: {  	v3 =	vperm.xlane v3, v2;
	s19 =	simm.s32 $0xC880  }
0x61: {  	[tilespmem:s19], [sflag:$0x1] =	stream.indirect_vreg.gather [hbm4b:s4+s3], $0x80, v4, vm0, $0xb8;
	[tilespmem:$0x10080] =	vst v63  }
0x62: {  	v3 =	vadd.s32 v1, v3;
	s19 =	simm.s32 $0xD080  }
0x63: {  	[tilespmem:s19], [sflag:$0x1] =	stream.indirect_vreg.gather [hbm4b:s5+s3], $0x80, v4, vm0, $0xb8;
	[tilespmem:$0x10080] =	vst v63  }
0x64: {  	s19 =	simm.s32 $0xD880  }
0x65: {  	[tilespmem:s19], [sflag:$0x1] =	stream.indirect_vreg.gather [hbm4b:s6+s3], $0x80, v4, vm0, $0xb8;
	[tilespmem:$0x10080] =	vst v63  }
0x66: {  	s19 =	simm.s32 $0xE080  }
0x67: {  	[tilespmem:s19], [sflag:$0x1] =	stream.indirect_vreg.gather [hbm4b:s2+s3], $0x80, v3, vm0, $0xb8;
	[tilespmem:$0x10080] =	vst v63  }
0x68: {  	s19 =	simm.s32 $0xE880  }
0x69: {  	[tilespmem:s19], [sflag:$0x1] =	stream.indirect_vreg.gather [hbm4b:s4+s3], $0x80, v3, vm0, $0xb8;
	[tilespmem:$0x10080] =	vst v63  }
0x6a: {  	s19 =	simm.s32 $0xF080  }
0x6b: {  	[tilespmem:s19], [sflag:$0x1] =	stream.indirect_vreg.gather [hbm4b:s5+s3], $0x80, v3, vm0, $0xb8;
	[tilespmem:$0x10080] =	vst v63  }
0x6c: {  	s19 =	simm.s32 $0xF880  }
0x6d: {  	[tilespmem:s19], [sflag:$0x1] =	stream.indirect_vreg.gather [hbm4b:s6+s3], $0x80, v3, vm0, $0xb8;
	[tilespmem:$0x10080] =	vst v63  }
0x6e: {  	_ =	swait.ge [sflag:s18], $0x10000  }
0x6f: {  	[sflag:s18] =	ssyncset.done $0x0  }
0x70: {  	s19 =	rddreg [dreg:$0x5];
	[sflag:s18] =	ssyncadd.s32 $0xFFFF0000  }
0x71: {  	[hbm4b:s19+s3] =	stream.linear.scatter [tilespmem:s0], [sflag:$0x2], $0x10000, $0x38;
	[tilespmem:$0x10080] =	vst v63  }
0x72: {  	_ =	swait.ge [sflag:s8], $0x10000  }
0x73: {  	[sflag:s8] =	ssyncset.done $0x0  }
0x74: {  	s19 =	rddreg [dreg:$0x6];
	[sflag:s8] =	ssyncadd.s32 $0xFFFF0000  }
0x75: {  	[tilespmem:s3], [sflag:$0x2] =	stream.linear.gather [hbm4b:s19+s3], $0x40, $0x38;
	[tilespmem:$0x10080] =	vst v63  }
0x76: {  	_ =	swait.ge [sflag:s8], $0x40  }
0x77: {  	[sflag:s8] =	ssyncset.done $0x0  }
0x78: {  	[sflag:s8] =	ssyncadd.s32 $0xFFFFFFC0  }
0x79: {  	v3 =	vld [tilespmem:$0x0];
	_ =	sdelay $0x4  }
0x7a: {  	v60 =	vshll.u32 v3, $0x3  }
0x7b: {  	v3 =	vand.u32 $0x7, v3;
	v4 =	vand.u32 $0xFFFFFFC0, v60  }
0x7c: {  	v3 =	vor.u32 v3, v4  }
0x7d: {  	v4 =	vperm.xlane v3, v0;
	_ =	sdelay $0x1  }
0x7e: {  	v4 =	vadd.s32 v1, v4;
	_ =	sdelay $0x4  }
0x7f: {  	[tilespmem:s0], [sflag:$0x1] =	stream.indirect_vreg.gather [hbm4b:s2+s3], $0x80, v4, vm0, $0xb8;
	[tilespmem:$0x10080] =	vst v63  }
0x80: {  	v3 =	vperm.xlane v3, v2  }
0x81: {  	[tilespmem:s20], [sflag:$0x1] =	stream.indirect_vreg.gather [hbm4b:s4+s3], $0x80, v4, vm0, $0xb8;
	[tilespmem:$0x10080] =	vst v63  }
0x82: {  	v3 =	vadd.s32 v1, v3  }
0x83: {  	[tilespmem:s21], [sflag:$0x1] =	stream.indirect_vreg.gather [hbm4b:s5+s3], $0x80, v4, vm0, $0xb8;
	[tilespmem:$0x10080] =	vst v63  }
0x84: {  	_ = 	snop  }
0x85: {  	[tilespmem:s22], [sflag:$0x1] =	stream.indirect_vreg.gather [hbm4b:s6+s3], $0x80, v4, vm0, $0xb8;
	[tilespmem:$0x10080] =	vst v63  }
0x86: {  	_ = 	snop  }
0x87: {  	[tilespmem:s23], [sflag:$0x1] =	stream.indirect_vreg.gather [hbm4b:s2+s3], $0x80, v3, vm0, $0xb8;
	[tilespmem:$0x10080] =	vst v63  }
0x88: {  	_ = 	snop  }
0x89: {  	[tilespmem:s24], [sflag:$0x1] =	stream.indirect_vreg.gather [hbm4b:s4+s3], $0x80, v3, vm0, $0xb8;
	[tilespmem:$0x10080] =	vst v63  }
0x8a: {  	_ = 	snop  }
0x8b: {  	[tilespmem:s25], [sflag:$0x1] =	stream.indirect_vreg.gather [hbm4b:s5+s3], $0x80, v3, vm0, $0xb8;
	[tilespmem:$0x10080] =	vst v63  }
0x8c: {  	_ = 	snop  }
0x8d: {  	[tilespmem:s26], [sflag:$0x1] =	stream.indirect_vreg.gather [hbm4b:s6+s3], $0x80, v3, vm0, $0xb8;
	[tilespmem:$0x10080] =	vst v63  }
0x8e: {  	v3 =	vld [tilespmem:$0x10];
	_ =	sdelay $0x4  }
0x8f: {  	v61 =	vshll.u32 v3, $0x3  }
0x90: {  	v3 =	vand.u32 $0x7, v3;
	v4 =	vand.u32 $0xFFFFFFC0, v61  }
0x91: {  	v3 =	vor.u32 v3, v4  }
0x92: {  	v4 =	vperm.xlane v3, v0;
	_ =	sdelay $0x1  }
0x93: {  	v4 =	vadd.s32 v1, v4;
	_ =	sdelay $0x4  }
0x94: {  	[tilespmem:s28], [sflag:$0x1] =	stream.indirect_vreg.gather [hbm4b:s2+s3], $0x80, v4, vm0, $0xb8;
	[tilespmem:$0x10080] =	vst v63  }
0x95: {  	v3 =	vperm.xlane v3, v2  }
0x96: {  	[tilespmem:s29], [sflag:$0x1] =	stream.indirect_vreg.gather [hbm4b:s4+s3], $0x80, v4, vm0, $0xb8;
	[tilespmem:$0x10080] =	vst v63  }
0x97: {  	v3 =	vadd.s32 v1, v3  }
0x98: {  	[tilespmem:s30], [sflag:$0x1] =	stream.indirect_vreg.gather [hbm4b:s5+s3], $0x80, v4, vm0, $0xb8;
	[tilespmem:$0x10080] =	vst v63  }
0x99: {  	_ = 	snop  }
0x9a: {  	[tilespmem:s31], [sflag:$0x1] =	stream.indirect_vreg.gather [hbm4b:s6+s3], $0x80, v4, vm0, $0xb8;
	[tilespmem:$0x10080] =	vst v63  }
0x9b: {  	_ = 	snop  }
0x9c: {  	[tilespmem:s1], [sflag:$0x1] =	stream.indirect_vreg.gather [hbm4b:s2+s3], $0x80, v3, vm0, $0xb8;
	[tilespmem:$0x10080] =	vst v63  }
0x9d: {  	s19 =	simm.s32 $0x6880  }
0x9e: {  	[tilespmem:s19], [sflag:$0x1] =	stream.indirect_vreg.gather [hbm4b:s4+s3], $0x80, v3, vm0, $0xb8;
	[tilespmem:$0x10080] =	vst v63  }
0x9f: {  	_ = 	snop  }
0xa0: {  	[tilespmem:s10], [sflag:$0x1] =	stream.indirect_vreg.gather [hbm4b:s5+s3], $0x80, v3, vm0, $0xb8;
	[tilespmem:$0x10080] =	vst v63  }
0xa1: {  	_ = 	snop  }
0xa2: {  	[tilespmem:s11], [sflag:$0x1] =	stream.indirect_vreg.gather [hbm4b:s6+s3], $0x80, v3, vm0, $0xb8;
	[tilespmem:$0x10080] =	vst v63  }
0xa3: {  	v3 =	vld [tilespmem:$0x20];
	_ =	sdelay $0x4  }
0xa4: {  	v62 =	vshll.u32 v3, $0x3  }
0xa5: {  	v3 =	vand.u32 $0x7, v3;
	v4 =	vand.u32 $0xFFFFFFC0, v62  }
0xa6: {  	v3 =	vor.u32 v3, v4  }
0xa7: {  	v4 =	vperm.xlane v3, v0;
	_ =	sdelay $0x1  }
0xa8: {  	v4 =	vadd.s32 v1, v4;
	_ =	sdelay $0x4  }
0xa9: {  	[tilespmem:s12], [sflag:$0x1] =	stream.indirect_vreg.gather [hbm4b:s2+s3], $0x80, v4, vm0, $0xb8;
	[tilespmem:$0x10080] =	vst v63  }
0xaa: {  	v3 =	vperm.xlane v3, v2  }
0xab: {  	[tilespmem:s13], [sflag:$0x1] =	stream.indirect_vreg.gather [hbm4b:s4+s3], $0x80, v4, vm0, $0xb8;
	[tilespmem:$0x10080] =	vst v63  }
0xac: {  	v3 =	vadd.s32 v1, v3  }
0xad: {  	[tilespmem:s14], [sflag:$0x1] =	stream.indirect_vreg.gather [hbm4b:s5+s3], $0x80, v4, vm0, $0xb8;
	[tilespmem:$0x10080] =	vst v63  }
0xae: {  	_ = 	snop  }
0xaf: {  	[tilespmem:s15], [sflag:$0x1] =	stream.indirect_vreg.gather [hbm4b:s6+s3], $0x80, v4, vm0, $0xb8;
	[tilespmem:$0x10080] =	vst v63  }
0xb0: {  	_ = 	snop  }
0xb1: {  	[tilespmem:s16], [sflag:$0x1] =	stream.indirect_vreg.gather [hbm4b:s2+s3], $0x80, v3, vm0, $0xb8;
	[tilespmem:$0x10080] =	vst v63  }
0xb2: {  	_ = 	snop  }
0xb3: {  	[tilespmem:s17], [sflag:$0x1] =	stream.indirect_vreg.gather [hbm4b:s4+s3], $0x80, v3, vm0, $0xb8;
	[tilespmem:$0x10080] =	vst v63  }
0xb4: {  	_ = 	snop  }
0xb5: {  	[tilespmem:s9], [sflag:$0x1] =	stream.indirect_vreg.gather [hbm4b:s5+s3], $0x80, v3, vm0, $0xb8;
	[tilespmem:$0x10080] =	vst v63  }
0xb6: {  	s19 =	simm.s32 $0xB880  }
0xb7: {  	[tilespmem:s19], [sflag:$0x1] =	stream.indirect_vreg.gather [hbm4b:s6+s3], $0x80, v3, vm0, $0xb8;
	[tilespmem:$0x10080] =	vst v63  }
0xb8: {  	v3 =	vld [tilespmem:$0x30];
	_ =	sdelay $0x4  }
0xb9: {  	v63 =	vshll.u32 v3, $0x3  }
0xba: {  	v3 =	vand.u32 $0x7, v3;
	v4 =	vand.u32 $0xFFFFFFC0, v63  }
0xbb: {  	v3 =	vor.u32 v3, v4  }
0xbc: {  	v4 =	vperm.xlane v3, v0;
	_ =	sdelay $0x1  }
0xbd: {  	v4 =	vadd.s32 v1, v4;
	_ =	sdelay $0x3  }
0xbe: {  	s9 =	simm.s32 $0xC080  }
0xbf: {  	[tilespmem:s9], [sflag:$0x1] =	stream.indirect_vreg.gather [hbm4b:s2+s3], $0x80, v4, vm0, $0xb8;
	[tilespmem:$0x10080] =	vst v63  }
0xc0: {  	s19 =	simm.s32 $0xC880;
	v3 =	vperm.xlane v3, v2  }
0xc1: {  	[tilespmem:s19], [sflag:$0x1] =	stream.indirect_vreg.gather [hbm4b:s4+s3], $0x80, v4, vm0, $0xb8;
	[tilespmem:$0x10080] =	vst v63  }
0xc2: {  	v3 =	vadd.s32 v1, v3;
	s9 =	simm.s32 $0xD080  }
0xc3: {  	[tilespmem:s9], [sflag:$0x1] =	stream.indirect_vreg.gather [hbm4b:s5+s3], $0x80, v4, vm0, $0xb8;
	[tilespmem:$0x10080] =	vst v63  }
0xc4: {  	s19 =	simm.s32 $0xD880  }
0xc5: {  	[tilespmem:s19], [sflag:$0x1] =	stream.indirect_vreg.gather [hbm4b:s6+s3], $0x80, v4, vm0, $0xb8;
	[tilespmem:$0x10080] =	vst v63  }
0xc6: {  	s9 =	simm.s32 $0xE080  }
0xc7: {  	[tilespmem:s9], [sflag:$0x1] =	stream.indirect_vreg.gather [hbm4b:s2+s3], $0x80, v3, vm0, $0xb8;
	[tilespmem:$0x10080] =	vst v63  }
0xc8: {  	s19 =	simm.s32 $0xE880  }
0xc9: {  	[tilespmem:s19], [sflag:$0x1] =	stream.indirect_vreg.gather [hbm4b:s4+s3], $0x80, v3, vm0, $0xb8;
	[tilespmem:$0x10080] =	vst v63  }
0xca: {  	s9 =	simm.s32 $0xF080  }
0xcb: {  	[tilespmem:s9], [sflag:$0x1] =	stream.indirect_vreg.gather [hbm4b:s5+s3], $0x80, v3, vm0, $0xb8;
	[tilespmem:$0x10080] =	vst v63  }
0xcc: {  	s19 =	simm.s32 $0xF880  }
0xcd: {  	[tilespmem:s19], [sflag:$0x1] =	stream.indirect_vreg.gather [hbm4b:s6+s3], $0x80, v3, vm0, $0xb8;
	[tilespmem:$0x10080] =	vst v63  }
0xce: {  	_ =	swait.ge [sflag:s18], $0x10000  }
0xcf: {  	p0 =	sne.s32 s7, $0x1;
	[sflag:s18] =	ssyncset.done $0x0  }
.Ltmp0:
0xd0: {  	s9 =	rddreg [dreg:$0x7];
	[sflag:s18] =	ssyncadd.s32 $0xFFFF0000;
	(pc) =	sbr.rel @p0 .LBB2_1-.Ltmp0, $4  }
0xd1: {  	[hbm4b:s9+s3] =	stream.linear.scatter [tilespmem:s0], [sflag:$0x2], $0x10000, $0x38;
	[tilespmem:$0x10080] =	vst v63  }
0xd2: {  	_ =	swait.ge [sflag:s8], $0x10000  }
0xd3: {  	[sflag:s8] =	ssyncset.done $0x0  }
0xd4: {  	s7 =	sadd.s32 $0xFFFFFFFF, s7;
	[sflag:s8] =	ssyncadd.s32 $0xFFFF0000  }
0xd5: {  	_ =	sfence.sel $0x180000  }
0xd6: {  	[bflag:$0x0] =	sbarrier.arrive $0xFFFF  }
0xd7: {  	_ =	strace $0x90000047  }
0xd8: {  	s0 =	stileid.u32;
	[bflag:$0x2] =	sbarrier.arrive $0xFFFF  }
0xd9: {  	p0 =	sne.s32 s0, $0x0;
	s0 =	rddreg [dreg:$0x3]  }
0xda: {  	s0 =	sadd.s32 @!p0 $0x100000, s0  }
0xdb: {  	[sflag:s0] =	ssyncadd.tile.s32 @!p0 $0x1;
	_ =	shalt  }
.Lfunc_end2:
_tile_overlayer_lowered:
.L_overlay_start_2:
0xdc: {  	(tag) =	ssettag $0x2  }
0xdd: {  	s0 =	rddreg [dreg:$0x0];
	s2 =	stileid.u32  }
0xde: {  	s1 =	rddreg [dreg:$0x1];
	p0 =	sne.s32 s2, $0x0  }
0xdf: {  	s3 =	rddreg [dreg:$0x2];
	[bflag:$0x3] =	sbarrier.arrive $0xFFFF;
	s2 =	simm.s32 @!p0 $0x1C02  }
0xe0: {  	[timem:s3], [sflag:s2] =	dma.local @!p0 [hbm:s0], s1  }
0xe1: {  	s0 =	simm.s32 @!p0 $0x2  }
0xe2: {  	_ =	swait.ge @!p0 [sflag:s0], s1  }
0xe3: {  	s1 =	ssub.s32 @!p0 $0x0, s1;
	[sflag:s0] =	ssyncset.done @!p0 $0x0  }
0xe4: {  	[sflag:s0] =	ssyncadd.s32 @!p0 s1  }
0xe5: {  	[bflag:$0x3] =	sbarrier.arrive $0xFFFF  }
0xe6: {  	_ =	shalt  }

</sc_bundles>
